<compile_context>
chip_gen: v7x
topology: tpu7x:2x2x1
jax: 0.10.2.dev20260603
libtpu: 0.0.44.dev20260713+nightly
codegen_flags: <defaults>
</compile_context>

<pallas_src>
import functools

import jax
import jax.numpy as jnp
from jax import lax
from jax.experimental import pallas as pl
from jax.experimental.pallas import tpu as pltpu
from jax.experimental.pallas import tpu_sc as plsc

EPS = 1e-5
CAP = 80
DUMP = 512


def _ln(x, g, b):
    mu = jnp.mean(x, axis=-1, keepdims=True)
    var = jnp.mean((x - mu) ** 2, axis=-1, keepdims=True)
    return (x - mu) * jax.lax.rsqrt(var + EPS) * g + b


def _elu(x):
    return jnp.where(x > 0, x, jnp.exp(x) - 1.0)


def _node_kernel(msa_ref, seq_ref, gm_ref, bm_ref, Wq_ref, bq_ref, WkT_ref,
                 Wnm_ref, Wns_ref, bn_ref, gn_ref, bnn_ref, node_ref, *, scale):
    x = msa_ref[...]
    xn = _ln(x, gm_ref[...], bm_ref[...])
    q = (jnp.dot(xn[0], Wq_ref[...], preferred_element_type=jnp.float32)
         + bq_ref[...]) * scale
    qw = jnp.dot(q, WkT_ref[...], preferred_element_type=jnp.float32)
    logits = jnp.sum(xn * qw[None, :, :], axis=-1)
    mx = jnp.max(logits, axis=0, keepdims=True)
    e = jnp.exp(logits - mx)
    att = e / jnp.sum(e, axis=0, keepdims=True)
    ws = jnp.sum(xn * att[:, :, None], axis=0)
    pre = (jnp.dot(ws, Wnm_ref[...], preferred_element_type=jnp.float32)
           + jnp.dot(seq_ref[...], Wns_ref[...], preferred_element_type=jnp.float32)
           + bn_ref[...])
    node_ref[...] = _ln(_elu(pre), gn_ref[...], bnn_ref[...])


def _mask_kernel(cac_ref, car_ref, aac_ref, aar_ref, jdxt_ref, gidxt_ref,
                 dist_ref, dv0_ref, dv1_ref, dv2_ref, km_ref, *, L, K, kmin):
    dx = [car_ref[c:c + 1, :] - cac_ref[:, c:c + 1] for c in range(3)]
    pd2 = dx[0] * dx[0] + dx[1] * dx[1] + dx[2] * dx[2]
    ri = jax.lax.broadcasted_iota(jnp.int32, (L, L), 0)
    ci = jax.lax.broadcasted_iota(jnp.int32, (L, L), 1)
    diag = ri == ci
    pdist = jnp.sqrt(pd2 + 1e-12) + jnp.where(diag, 1000.0, 0.0)
    bits = jax.lax.bitcast_convert_type(pdist, jnp.int32)

    def body(_, carry):
        lo, hi = carry
        mid = lo + jax.lax.shift_right_logical(hi - lo, 1)
        cnt = jnp.sum((bits <= mid).astype(jnp.int32), axis=0, keepdims=True)
        ge = cnt >= K
        return jnp.where(ge, lo, mid), jnp.where(ge, mid, hi)

    lo0 = jnp.full((1, L), -1, jnp.int32)
    hi0 = jnp.full((1, L), 0x7F7FFFFF, jnp.int32)
    _, t = jax.lax.fori_loop(0, 31, body, (lo0, hi0))

    eqt_t = bits == t
    c_lt = jnp.sum((bits < t).astype(jnp.int32), axis=0, keepdims=True)
    needed = K - c_lt

    def body2(_, carry):
        lo, hi = carry
        mid = lo + jax.lax.shift_right_logical(hi - lo, 1)
        cnt = jnp.sum(jnp.logical_and(eqt_t, ri <= mid).astype(jnp.int32),
                      axis=0, keepdims=True)
        ge = cnt >= needed
        return jnp.where(ge, lo, mid), jnp.where(ge, mid, hi)

    jlo0 = jnp.full((1, L), -1, jnp.int32)
    jhi0 = jnp.full((1, L), L - 1, jnp.int32)
    _, jt = jax.lax.fori_loop(0, 10, body2, (jlo0, jhi0))
    knn_t = jnp.logical_or(bits < t,
                           jnp.logical_and(bits == t, ri <= jt))
    aa_d = jnp.abs(aac_ref[...] - aar_ref[...])
    band = jnp.logical_and(aa_d < kmin, jnp.logical_not(diag))
    INF = jnp.int32(0x7F800000)
    km_ref[...] = jnp.where(jnp.logical_or(knn_t, band), bits, INF)

    irow = jax.lax.broadcasted_iota(jnp.int32, (1, L), 1)

    carf = car_ref[...]

    def extract(s, carry):
        km = km_ref[...]
        minv = jnp.min(km, axis=0, keepdims=True)
        idxs = jnp.min(jnp.where(km == minv, ri, L), axis=0,
                       keepdims=True)
        valid = minv < INF
        jdxt_ref[pl.ds(s, 1), :] = jnp.where(valid, idxs, DUMP)
        gidxt_ref[pl.ds(s, 1), :] = irow * L + jnp.where(valid, idxs, irow)
        distf = jax.lax.bitcast_convert_type(minv, jnp.float32)
        dist_ref[pl.ds(s, 1), :] = jnp.where(valid, distf, 0.0)
        onehot = ri == idxs
        ohf = jnp.where(onehot, 1.0, 0.0)
        caj = jnp.dot(carf, ohf, preferred_element_type=jnp.float32)
        dv = caj - carf
        dv0_ref[pl.ds(s, 1), :] = jnp.where(valid, dv[0:1, :], 0.0)
        dv1_ref[pl.ds(s, 1), :] = jnp.where(valid, dv[1:2, :], 0.0)
        dv2_ref[pl.ds(s, 1), :] = jnp.where(valid, dv[2:3, :], 0.0)
        km_ref[...] = jnp.where(onehot, INF, km)
        return carry

    jax.lax.fori_loop(0, CAP, extract, 0)


def _sc_gather_body(gidx_hbm, pairflat_hbm, edges_hbm,
                    gidx_v, gidx2_v, erow_v, erow2_v, sem, *, L, rows_per_w):
    nc = 2
    wid = lax.axis_index("s") * nc + lax.axis_index("c")

    def row_pair(r2, carry):
        i0 = wid * rows_per_w + r2 * 2
        pltpu.sync_copy(gidx_hbm.at[i0], gidx_v)
        cp0 = pltpu.async_copy(pairflat_hbm.at[gidx_v], erow_v, sem)
        pltpu.sync_copy(gidx_hbm.at[i0 + 1], gidx2_v)
        cp0.wait()
        cp1 = pltpu.async_copy(pairflat_hbm.at[gidx2_v], erow2_v, sem)
        pltpu.sync_copy(erow_v, edges_hbm.at[pl.ds(i0 * CAP, CAP)])
        cp1.wait()
        pltpu.sync_copy(erow2_v, edges_hbm.at[pl.ds((i0 + 1) * CAP, CAP)])
        return carry

    lax.fori_loop(0, rows_per_w // 2, row_pair, jnp.int32(0))


def _sc_scatter_body(msg_hbm, jdxall_hbm, zeros_hbm, agg_hbm,
                     msg_v, msg2_v, jdx_v, jdx2_v, shared, sem, *, L, rows_per_w):
    cid = lax.axis_index("c")
    sid = lax.axis_index("s")
    wid = sid * 2 + cid

    @pl.when(sid == 0)
    def _():
        pltpu.sync_copy(zeros_hbm, shared)

    plsc.subcore_barrier()

    def row_pair(r2, carry):
        i0 = wid * rows_per_w + r2 * 2
        pltpu.sync_copy(msg_hbm.at[pl.ds(i0 * CAP, CAP)], msg_v)
        pltpu.sync_copy(jdxall_hbm.at[i0], jdx_v)
        cp0 = pltpu.async_copy(msg_v, shared.at[jdx_v], sem, add=True)
        pltpu.sync_copy(msg_hbm.at[pl.ds((i0 + 1) * CAP, CAP)], msg2_v)
        pltpu.sync_copy(jdxall_hbm.at[i0 + 1], jdx2_v)
        cp0.wait()
        pltpu.async_copy(msg2_v, shared.at[jdx2_v], sem, add=True).wait()
        return carry

    lax.fori_loop(0, rows_per_w // 2, row_pair, jnp.int32(0))

    plsc.subcore_barrier()

    @pl.when(sid == 0)
    def _():
        pltpu.sync_copy(shared.at[pl.ds(0, L)], agg_hbm.at[cid])


def _edge_kernel(edges_ref, feats_ref, node_ref,
                 gp_ref, bp_ref, We_ref, be_ref, ge_ref, bee_ref,
                 Wna_ref, Wea_ref, wda_ref, ba_ref, out_ref, *, nf, nsrc):
    RB = edges_ref.shape[0]
    x = edges_ref[...]
    xn = _ln(x, gp_ref[...], bp_ref[...])
    e0 = _elu(jnp.dot(xn, We_ref[...], preferred_element_type=jnp.float32)
              + be_ref[...])
    edge = _ln(e0, ge_ref[...], bee_ref[...])
    R = (lax.broadcasted_iota(jnp.int32, (RB, nsrc), 0) // CAP
         == lax.broadcasted_iota(jnp.int32, (RB, nsrc), 1)).astype(jnp.float32)
    nterm = jnp.dot(node_ref[...], Wna_ref[...], preferred_element_type=jnp.float32)
    f = feats_ref[...]
    dist = f[:, 3:4]
    pre = (jnp.dot(edge, Wea_ref[...], preferred_element_type=jnp.float32)
           + jnp.dot(R, nterm, preferred_element_type=jnp.float32)
           + dist * wda_ref[...] + ba_ref[...])
    m = _elu(pre[:, :32])
    coef = pre[:, 32:]
    vm = jnp.concatenate([coef * f[:, c:c + 1] for c in range(3)], axis=1)
    out_ref[:, :32] = m
    out_ref[:, 32:41] = vm


def _final_kernel(agg_ref, node_ref, xyz9_ref, Wself_ref, gs_ref, bs_ref,
                  state_ref, xyzo_ref):
    a2 = agg_ref[...][0] + agg_ref[...][1]
    agg = a2[:, :32] + jnp.dot(node_ref[...], Wself_ref[...],
                               preferred_element_type=jnp.float32)
    state_ref[...] = _ln(_elu(agg), gs_ref[...], bs_ref[...])
    d = a2[:, 32:41]
    xin = xyz9_ref[...]
    da = [jnp.concatenate([d[:, a:a + 1], d[:, 3 + a:4 + a],
                           d[:, 6 + a:7 + a]], axis=1) for a in range(3)]
    ca_new = xin[:, 3:6] + da[1]
    xyzo_ref[...] = jnp.concatenate(
        [ca_new + da[0], ca_new, ca_new + da[2]], axis=1)


def _full(shape):
    return pl.BlockSpec(shape, lambda *args: (0,) * len(shape))


def kernel(xyz, msa, pair, seq_onehot, params, aa_idx):
    p = params
    B, L = xyz.shape[:2]
    N, Dm = msa.shape[1], msa.shape[3]
    Dp = pair.shape[3]
    Dn, Ds, NF = 64, 32, 35
    K, KMIN = 64, 9
    E = L * CAP

    msa3 = msa[0]
    pairflat = pair[0].reshape(L * L, Dp)
    seq = seq_onehot[0]
    ca = xyz[0, :, 1, :]
    cac = jnp.pad(ca, ((0, 0), (0, 5)))
    car = cac.T
    aa = aa_idx[0].astype(jnp.int32)
    aac = aa.reshape(L, 1)
    aar = aa.reshape(1, L)
    xyz9 = xyz[0].reshape(L, 9)
    scale = float(Dm) ** -0.5

    gm = p['ln_msa_g'].reshape(1, 1, Dm)
    bm = p['ln_msa_b'].reshape(1, 1, Dm)
    bq = p['bq'].reshape(1, Dm)
    WkT = p['Wk'].T
    Wnm = p['W_n'][:Dm]
    Wns = p['W_n'][Dm:]
    bn = p['b_n'].reshape(1, Dn)
    gn = p['ln_node_g'].reshape(1, Dn)
    bnn = p['ln_node_b'].reshape(1, Dn)
    gp = p['ln_pair_g'].reshape(1, Dp)
    bp = p['ln_pair_b'].reshape(1, Dp)
    be = p['b_e'].reshape(1, Dn)
    ge = p['ln_edge_g'].reshape(1, Dn)
    bee = p['ln_edge_b'].reshape(1, Dn)
    W_all = jnp.concatenate([p['W_msg'], p['W_vec']], axis=1)
    Wna = W_all[:Dn]
    Wea = W_all[Dn:2 * Dn]
    wda = W_all[2 * Dn].reshape(1, NF)
    ba = jnp.concatenate([p['b_msg'], jnp.zeros((3,), jnp.float32)]).reshape(1, NF)
    gs = p['ln_state_g'].reshape(1, Ds)
    bs = p['ln_state_b'].reshape(1, Ds)

    LB = 64
    node = pl.pallas_call(
        functools.partial(_node_kernel, scale=scale),
        grid=(L // LB,),
        in_specs=[
            pl.BlockSpec((N, LB, Dm), lambda l: (0, l, 0)),
            pl.BlockSpec((LB, seq.shape[1]), lambda l: (l, 0)),
            _full(gm.shape), _full(bm.shape), _full(p['Wq'].shape),
            _full(bq.shape), _full(WkT.shape), _full(Wnm.shape),
            _full(Wns.shape), _full(bn.shape), _full(gn.shape),
            _full(bnn.shape),
        ],
        out_specs=pl.BlockSpec((LB, Dn), lambda l: (l, 0)),
        out_shape=jax.ShapeDtypeStruct((L, Dn), jnp.float32),
    )(msa3, seq, gm, bm, p['Wq'], bq, WkT, Wnm, Wns, bn, gn, bnn)

    jdxt, gidxt, distt, dv0t, dv1t, dv2t = pl.pallas_call(
        functools.partial(_mask_kernel, L=L, K=K, kmin=KMIN),
        out_shape=[jax.ShapeDtypeStruct((CAP, L), jnp.int32),
                   jax.ShapeDtypeStruct((CAP, L), jnp.int32),
                   jax.ShapeDtypeStruct((CAP, L), jnp.float32),
                   jax.ShapeDtypeStruct((CAP, L), jnp.float32),
                   jax.ShapeDtypeStruct((CAP, L), jnp.float32),
                   jax.ShapeDtypeStruct((CAP, L), jnp.float32)],
        scratch_shapes=[pltpu.VMEM((L, L), jnp.int32)],
    )(cac, car, aac, aar)
    jdx = jdxt.T
    gidx = gidxt.T
    feats = jnp.concatenate(
        [dv0t.T.reshape(E, 1), dv1t.T.reshape(E, 1), dv2t.T.reshape(E, 1),
         distt.T.reshape(E, 1), jnp.zeros((E, 4), jnp.float32)], axis=1)

    mesh = plsc.VectorSubcoreMesh(core_axis_name="c", subcore_axis_name="s")
    edges = pl.kernel(
        functools.partial(_sc_gather_body, L=L, rows_per_w=L // 32),
        out_type=jax.ShapeDtypeStruct((E, Dp), jnp.float32),
        mesh=mesh,
        scratch_types=[
            pltpu.VMEM((CAP,), jnp.int32),
            pltpu.VMEM((CAP,), jnp.int32),
            pltpu.VMEM((CAP, Dp), jnp.float32),
            pltpu.VMEM((CAP, Dp), jnp.float32),
            pltpu.SemaphoreType.DMA,
        ],
    )(gidx, pairflat)

    NSRC = 32
    RB = NSRC * CAP
    msg = pl.pallas_call(
        functools.partial(_edge_kernel, nf=NF, nsrc=NSRC),
        grid=(L // NSRC,),
        in_specs=[
            pl.BlockSpec((RB, Dp), lambda g: (g, 0)),
            pl.BlockSpec((RB, 8), lambda g: (g, 0)),
            pl.BlockSpec((NSRC, Dn), lambda g: (g, 0)),
            _full(gp.shape), _full(bp.shape), _full(p['W_e'].shape),
            _full(be.shape), _full(ge.shape), _full(bee.shape),
            _full(Wna.shape), _full(Wea.shape), _full(wda.shape),
            _full(ba.shape),
        ],
        out_specs=pl.BlockSpec((RB, 128), lambda g: (g, 0)),
        out_shape=jax.ShapeDtypeStruct((E, 128), jnp.float32),
    )(edges, feats, node, gp, bp, p['W_e'], be, ge, bee, Wna, Wea, wda, ba)

    zeros_acc = jnp.zeros((L + 8, 128), jnp.float32)
    agg = pl.kernel(
        functools.partial(_sc_scatter_body, L=L, rows_per_w=L // 32),
        out_type=jax.ShapeDtypeStruct((2, L, 128), jnp.float32),
        mesh=mesh,
        scratch_types=[
            pltpu.VMEM((CAP, 128), jnp.float32),
            pltpu.VMEM((CAP, 128), jnp.float32),
            pltpu.VMEM((CAP,), jnp.int32),
            pltpu.VMEM((CAP,), jnp.int32),
            pltpu.VMEM_SHARED((L + 8, 128), jnp.float32),
            pltpu.SemaphoreType.DMA,
        ],
    )(msg, jdx, zeros_acc)

    state, xyzo = pl.pallas_call(
        _final_kernel,
        in_specs=[_full((2, L, 128)), _full((L, Dn)), _full((L, 9)),
                  _full(p['W_self'].shape), _full(gs.shape), _full(bs.shape)],
        out_specs=[pl.BlockSpec((L, Ds), lambda: (0, 0)),
                   pl.BlockSpec((L, 9), lambda: (0, 0))],
        out_shape=[
            jax.ShapeDtypeStruct((L, Ds), jnp.float32),
            jax.ShapeDtypeStruct((L, 9), jnp.float32),
        ],
    )(agg, node, xyz9, p['W_self'], gs, bs)

    return state.reshape(B, L, Ds), xyzo.reshape(B, L, 3, 3)

# --- scband reference (transcript-rebuilt; emitter-appended) ---
"""Pipeline reference for scband-coord-update-with-msa-and-pair-19344532701530 (READ-ONLY COPY).

The authoritative reference and input builder live on the scoring server;
editing this copy changes nothing except your own understanding.
"""

import jax, jax.numpy as jnp
import numpy as np

D_MSA=256; D_PAIR=128; D_NODE=64; D_EDGE=64; D_STATE=32; N_NEI=64; KMIN=9
CA_IDX=1; N_IDX=0; C_IDX=2

def layernorm(x, g, b, eps=1e-5):
    m = x.mean(-1, keepdims=True)
    v = ((x - m) ** 2).mean(-1, keepdims=True)
    return (x - m) / jnp.sqrt(v + eps) * g + b

def elu(x):
    return jnp.where(x > 0, x, jnp.expm1(x))

def setup_inputs(seed: int = 0) -> dict:
    key = jax.random.key(seed)
    ks = jax.random.split(key, 24)
    B, N, L = 1, 128, 512
    xyz = jax.random.normal(ks[0], (B, L, 3, 3), dtype=jnp.float32) * 3.0
    msa = jax.random.normal(ks[1], (B, N, L, D_MSA), dtype=jnp.float32)
    pair = jax.random.normal(ks[2], (B, L, L, D_PAIR), dtype=jnp.float32)
    aa_idx = jnp.broadcast_to(jnp.arange(L, dtype=jnp.int64), (B, L))
    seq_onehot = jax.random.uniform(ks[3], (B, L, 21), dtype=jnp.float32)
    s = 0.02
    params = {
        'ln_msa_g': jnp.ones((D_MSA,), jnp.float32), 'ln_msa_b': jnp.zeros((D_MSA,), jnp.float32),
        'ln_pair_g': jnp.ones((D_PAIR,), jnp.float32), 'ln_pair_b': jnp.zeros((D_PAIR,), jnp.float32),
        'Wq': jax.random.normal(ks[4], (D_MSA, D_MSA), jnp.float32) * s, 'bq': jnp.zeros((D_MSA,), jnp.float32),
        'Wk': jax.random.normal(ks[5], (D_MSA, D_MSA), jnp.float32) * s, 'bk': jnp.zeros((D_MSA,), jnp.float32),
        'W_n': jax.random.normal(ks[6], (D_MSA + 21, D_NODE), jnp.float32) * s, 'b_n': jnp.zeros((D_NODE,), jnp.float32),
        'ln_node_g': jnp.ones((D_NODE,), jnp.float32), 'ln_node_b': jnp.zeros((D_NODE,), jnp.float32),
        'W_e': jax.random.normal(ks[7], (D_PAIR, D_EDGE), jnp.float32) * s, 'b_e': jnp.zeros((D_EDGE,), jnp.float32),
        'ln_edge_g': jnp.ones((D_EDGE,), jnp.float32), 'ln_edge_b': jnp.zeros((D_EDGE,), jnp.float32),
        'W_msg': jax.random.normal(ks[8], (D_NODE + D_EDGE + 1, D_STATE), jnp.float32) * s, 'b_msg': jnp.zeros((D_STATE,), jnp.float32),
        'W_self': jax.random.normal(ks[9], (D_NODE, D_STATE), jnp.float32) * s,
        'ln_state_g': jnp.ones((D_STATE,), jnp.float32), 'ln_state_b': jnp.zeros((D_STATE,), jnp.float32),
        'W_vec': jax.random.normal(ks[10], (D_NODE + D_EDGE + 1, 3), jnp.float32) * s,
    }
    return {'xyz': xyz, 'msa': msa, 'pair': pair, 'seq_onehot': seq_onehot, 'params': params, 'aa_idx': aa_idx}

def _forward(xyz, msa, pair, seq_onehot, params, aa_idx):
    p = params
    B, L = xyz.shape[:2]
    msa = layernorm(msa, p['ln_msa_g'], p['ln_msa_b'])
    pair = layernorm(pair, p['ln_pair_g'], p['ln_pair_b'])
    # PositionWiseWeightFactor (n_heads=1, dropout in eval)
    scale = float(msa.shape[-1]) ** -0.5
    q = (msa[:, 0] @ p['Wq'] + p['bq']) * scale            # (B,L,d)
    k = msa @ p['Wk'] + p['bk']                             # (B,N,L,d)
    logits = jnp.einsum('bld,bnld->bln', q, k)              # (B,L,N)
    att = jax.nn.softmax(logits, axis=-1)                   # (B,L,N)
    w = jnp.transpose(att, (0, 2, 1))[..., None]            # (B,N,L,1)
    node_in = jnp.concatenate([(msa * w).sum(axis=1), seq_onehot], axis=-1)
    node = layernorm(elu(node_in @ p['W_n'] + p['b_n']), p['ln_node_g'], p['ln_node_b'])
    edge = layernorm(elu(pair @ p['W_e'] + p['b_e']), p['ln_edge_g'], p['ln_edge_b'])
    # kNN graph
    ca = xyz[:, :, CA_IDX]                                  # (B,L,3)
    diff = ca[:, :, None, :] - ca[:, None, :, :]
    pdist = jnp.sqrt((diff ** 2).sum(-1) + 1e-12)
    eye = jnp.eye(L, dtype=jnp.float32)[None]
    pdist = pdist + eye * 1000.0
    sep = jnp.abs(aa_idx[:, None, :] - aa_idx[:, :, None]).astype(jnp.float32) + eye * 999.9
    k_n = min(N_NEI, L)
    _, nidx = jax.lax.top_k(-pdist, k_n)                    # (B,L,k)
    bb = jnp.broadcast_to(jnp.arange(B)[:, None, None], nidx.shape)
    ii = jnp.broadcast_to(jnp.arange(L)[None, :, None], nidx.shape)
    adj = jnp.zeros((B, L, L), jnp.float32).at[bb, ii, nidx].set(1.0)
    cond = jnp.logical_or(adj > 0.0, sep < KMIN)
    mask = cond.astype(jnp.float32)[..., None]              # (B,L,L,1)
    d_vec = jax.lax.stop_gradient(ca[:, None, :, :] - ca[:, :, None, :])  # (B,L,L,3) = ca[b,j]-ca[b,i]
    dist = jnp.linalg.norm(d_vec, axis=-1, keepdims=True)   # (B,L,L,1)
    node_i = jnp.broadcast_to(node[:, :, None, :], (B, L, L, node.shape[-1]))
    msg_in = jnp.concatenate([node_i, edge, dist], axis=-1) # (B,L,L,Dn+De+1)
    m = elu(msg_in @ p['W_msg'] + p['b_msg'])               # (B,L,L,Ds)
    agg = (m * mask).sum(axis=1)                            # (B,L,Ds) indexed by dst j
    node_flat = node.reshape(B * L, -1)
    agg = agg.reshape(B * L, -1)
    state = layernorm(elu(agg + node_flat @ p['W_self']), p['ln_state_g'], p['ln_state_b'])
    coef = msg_in @ p['W_vec']                              # (B,L,L,3 atoms)
    vmsg = d_vec[..., None, :] * coef[..., :, None]         # (B,L,L,3,3)
    disp = (vmsg * mask[..., None]).sum(axis=1)             # (B,L,3,3)
    state = state.reshape(B, L, -1)
    ca_xyz = xyz[:, :, CA_IDX] + disp[:, :, CA_IDX]
    n_xyz = ca_xyz + disp[:, :, N_IDX]
    c_xyz = ca_xyz + disp[:, :, C_IDX]
    xyz_new = jnp.stack([n_xyz, ca_xyz, c_xyz], axis=2)
    return state, xyz_new

def reference(xyz, msa, pair, seq_onehot, params, aa_idx):
    return _forward(xyz, msa, pair, seq_onehot, params, aa_idx)

if __name__ == "__main__":
    import jax
    _d = setup_inputs()
    print(jax.jit(kernel)(*tuple(_d.values())))

</pallas_src>

<mosaic_0001>
#map = affine_map<(d0, d1) -> (0, 0)>
#map1 = affine_map<(d0, d1) -> (0, 0, 0)>
module attributes {stable_mosaic.version = 14 : i64} {
  func.func @_sc_scatter_body(%arg0: i32, %arg1: i32, %arg2: memref<40960x128xf32, #tpu.memory_space<hbm>>, %arg3: memref<512x80xi32, #tpu.memory_space<hbm>>, %arg4: memref<520x128xf32, #tpu.memory_space<hbm>>, %arg5: memref<2x512x128xf32, #tpu.memory_space<hbm>>, %arg6: memref<80x128xf32, #tpu.memory_space<vmem>>, %arg7: memref<80x128xf32, #tpu.memory_space<vmem>>, %arg8: memref<80xi32, #tpu.memory_space<vmem>>, %arg9: memref<80xi32, #tpu.memory_space<vmem>>, %arg10: memref<520x128xf32, #tpu.memory_space<vmem_shared>>, %arg11: memref<!tpu.dma_semaphore, #tpu.memory_space<semaphore_mem>>) attributes {dimension_semantics = [#tpu.dimension_semantics<core_parallel>, #tpu.dimension_semantics<subcore_parallel>], iteration_bounds = array<i64: 2, 16>, scalar_prefetch = 0 : i64, scratch_operands = 6 : i64, tpu.core_type = #tpu.core_type<sc_vector_subcore>, window_params = [{transform_indices = #map}, {transform_indices = #map}, {transform_indices = #map}, {transform_indices = #map1}]} {
    %mul3A = arith.constant 2 : i32
    %mul3A_0 = arith.muli %arg1, %mul3A : i32
    %add3A = arith.addi %mul3A_0, %arg0 : i32
    %eq3A = arith.constant 0 : i32
    %eq3A_1 = arith.cmpi eq, %arg1, %eq3A : i32
    %convert_element_type3A = arith.extui %eq3A_1 : i1 to i32
    %cond3A = arith.constant 0 : i32
    %cond3A_2 = arith.cmpi ne, %convert_element_type3A, %cond3A : i32
    scf.if %cond3A_2 {
      "tpu.region"() ({
        %run_scoped3A = tpu.sem_alloc : memref<!tpu.dma_semaphore, #tpu.memory_space<semaphore_mem>>
        tpu.enqueue_dma source(%arg4 : memref<520x128xf32, #tpu.memory_space<hbm>>) target(%arg10 : memref<520x128xf32, #tpu.memory_space<vmem_shared>>) target_semaphore(%run_scoped3A : memref<!tpu.dma_semaphore, #tpu.memory_space<semaphore_mem>>)
        tpu.wait_dma2 semaphore(%run_scoped3A : memref<!tpu.dma_semaphore, #tpu.memory_space<semaphore_mem>>) src(%arg4 : memref<520x128xf32, #tpu.memory_space<hbm>>) dst(%arg10 : memref<520x128xf32, #tpu.memory_space<vmem_shared>>)
        tpu.yield
      }) : () -> ()
    } else {
    }
    %barrier3A = arith.constant 0 : index
    tpu.barrier barrier_id(%barrier3A)
    %scan3A = arith.constant 0 : i32
    %scan3A_3 = arith.constant 0 : i32
    %scan3A_4 = arith.constant 8 : i32
    %scan3A_5 = arith.addi %scan3A_3, %scan3A_4 : i32
    %scan3A_6 = arith.constant 1 : i32
    scf.for %scan3A_14 = %scan3A_3 to %scan3A_5 step %scan3A_6  : i32 {
      %mul3A_15 = arith.constant 16 : i32
      %mul3A_16 = arith.muli %add3A, %mul3A_15 : i32
      %mul3A_17 = arith.constant 2 : i32
      %mul3A_18 = arith.muli %scan3A_14, %mul3A_17 : i32
      %add3A_19 = arith.addi %mul3A_16, %mul3A_18 : i32
      %mul3A_20 = arith.constant 80 : i32
      %mul3A_21 = arith.muli %add3A_19, %mul3A_20 : i32
      "tpu.region"() ({
        %run_scoped3A = tpu.sem_alloc : memref<!tpu.dma_semaphore, #tpu.memory_space<semaphore_mem>>
        %dma_start3A_38 = arith.constant 0 : i32
        %dma_start3A_39 = tpu.memref_slice %arg2[%mul3A_21, %dma_start3A_38] : memref<40960x128xf32, #tpu.memory_space<hbm>> -> memref<80x128xf32, #tpu.memory_space<hbm>>
        %dma_start3A_40 = arith.constant 0 : i32
        %dma_start3A_41 = tpu.memref_slice %arg2[%mul3A_21, %dma_start3A_40] : memref<40960x128xf32, #tpu.memory_space<hbm>> -> memref<80x128xf32, #tpu.memory_space<hbm>>
        tpu.enqueue_dma source(%dma_start3A_41 : memref<80x128xf32, #tpu.memory_space<hbm>>) target(%arg6 : memref<80x128xf32, #tpu.memory_space<vmem>>) target_semaphore(%run_scoped3A : memref<!tpu.dma_semaphore, #tpu.memory_space<semaphore_mem>>)
        %dma_wait3A_42 = arith.constant 0 : i32
        %dma_wait3A_43 = tpu.memref_slice %arg2[%mul3A_21, %dma_wait3A_42] : memref<40960x128xf32, #tpu.memory_space<hbm>> -> memref<80x128xf32, #tpu.memory_space<hbm>>
        %dma_wait3A_44 = arith.constant 0 : i32
        %dma_wait3A_45 = tpu.memref_slice %arg2[%mul3A_21, %dma_wait3A_44] : memref<40960x128xf32, #tpu.memory_space<hbm>> -> memref<80x128xf32, #tpu.memory_space<hbm>>
        tpu.wait_dma2 semaphore(%run_scoped3A : memref<!tpu.dma_semaphore, #tpu.memory_space<semaphore_mem>>) src(%dma_wait3A_45 : memref<80x128xf32, #tpu.memory_space<hbm>>) dst(%arg6 : memref<80x128xf32, #tpu.memory_space<vmem>>)
        tpu.yield
      }) : () -> ()
      "tpu.region"() ({
        %run_scoped3A = tpu.sem_alloc : memref<!tpu.dma_semaphore, #tpu.memory_space<semaphore_mem>>
        %dma_start3A_38 = arith.constant 0 : i32
        %dma_start3A_39 = tpu.memref_slice %arg3[%add3A_19, %dma_start3A_38] : memref<512x80xi32, #tpu.memory_space<hbm>> -> memref<1x80xi32, #tpu.memory_space<hbm>>
        %dma_start3A_40 = tpu.memref_squeeze %dma_start3A_39 : memref<1x80xi32, #tpu.memory_space<hbm>> -> memref<80xi32, #tpu.memory_space<hbm>>
        %dma_start3A_41 = arith.constant 0 : i32
        %dma_start3A_42 = tpu.memref_slice %arg3[%add3A_19, %dma_start3A_41] : memref<512x80xi32, #tpu.memory_space<hbm>> -> memref<1x80xi32, #tpu.memory_space<hbm>>
        %dma_start3A_43 = tpu.memref_squeeze %dma_start3A_42 : memref<1x80xi32, #tpu.memory_space<hbm>> -> memref<80xi32, #tpu.memory_space<hbm>>
        tpu.enqueue_dma source(%dma_start3A_43 : memref<80xi32, #tpu.memory_space<hbm>>) target(%arg8 : memref<80xi32, #tpu.memory_space<vmem>>) target_semaphore(%run_scoped3A : memref<!tpu.dma_semaphore, #tpu.memory_space<semaphore_mem>>)
        %dma_wait3A_44 = arith.constant 0 : i32
        %dma_wait3A_45 = tpu.memref_slice %arg3[%add3A_19, %dma_wait3A_44] : memref<512x80xi32, #tpu.memory_space<hbm>> -> memref<1x80xi32, #tpu.memory_space<hbm>>
        %dma_wait3A_46 = tpu.memref_squeeze %dma_wait3A_45 : memref<1x80xi32, #tpu.memory_space<hbm>> -> memref<80xi32, #tpu.memory_space<hbm>>
        %dma_wait3A_47 = arith.constant 0 : i32
        %dma_wait3A_48 = tpu.memref_slice %arg3[%add3A_19, %dma_wait3A_47] : memref<512x80xi32, #tpu.memory_space<hbm>> -> memref<1x80xi32, #tpu.memory_space<hbm>>
        %dma_wait3A_49 = tpu.memref_squeeze %dma_wait3A_48 : memref<1x80xi32, #tpu.memory_space<hbm>> -> memref<80xi32, #tpu.memory_space<hbm>>
        tpu.wait_dma2 semaphore(%run_scoped3A : memref<!tpu.dma_semaphore, #tpu.memory_space<semaphore_mem>>) src(%dma_wait3A_49 : memref<80xi32, #tpu.memory_space<hbm>>) dst(%arg8 : memref<80xi32, #tpu.memory_space<vmem>>)
        tpu.yield
      }) : () -> ()
      %dma_start3A = arith.constant 0 : i32
      %dma_start3A_22 = arith.constant 0 : i32
      %dma_start3A_23 = tpu.memref_slice %arg10[%dma_start3A, %dma_start3A_22] : memref<520x128xf32, #tpu.memory_space<vmem_shared>> -> memref<520x128xf32, #tpu.memory_space<vmem_shared>>
      tpu.enqueue_indirect_dma source(%arg6 : memref<80x128xf32, #tpu.memory_space<vmem>>) target(%dma_start3A_23 : memref<520x128xf32, #tpu.memory_space<vmem_shared>>) offsets(%arg8 : memref<80xi32, #tpu.memory_space<vmem>>) semaphore(%arg11 : memref<!tpu.dma_semaphore, #tpu.memory_space<semaphore_mem>>) {add = true}
      %add3A_24 = arith.constant 1 : i32
      %add3A_25 = arith.addi %add3A_19, %add3A_24 : i32
      %mul3A_26 = arith.constant 80 : i32
      %mul3A_27 = arith.muli %add3A_25, %mul3A_26 : i32
      "tpu.region"() ({
        %run_scoped3A = tpu.sem_alloc : memref<!tpu.dma_semaphore, #tpu.memory_space<semaphore_mem>>
        %dma_start3A_38 = arith.constant 0 : i32
        %dma_start3A_39 = tpu.memref_slice %arg2[%mul3A_27, %dma_start3A_38] : memref<40960x128xf32, #tpu.memory_space<hbm>> -> memref<80x128xf32, #tpu.memory_space<hbm>>
        %dma_start3A_40 = arith.constant 0 : i32
        %dma_start3A_41 = tpu.memref_slice %arg2[%mul3A_27, %dma_start3A_40] : memref<40960x128xf32, #tpu.memory_space<hbm>> -> memref<80x128xf32, #tpu.memory_space<hbm>>
        tpu.enqueue_dma source(%dma_start3A_41 : memref<80x128xf32, #tpu.memory_space<hbm>>) target(%arg7 : memref<80x128xf32, #tpu.memory_space<vmem>>) target_semaphore(%run_scoped3A : memref<!tpu.dma_semaphore, #tpu.memory_space<semaphore_mem>>)
        %dma_wait3A_42 = arith.constant 0 : i32
        %dma_wait3A_43 = tpu.memref_slice %arg2[%mul3A_27, %dma_wait3A_42] : memref<40960x128xf32, #tpu.memory_space<hbm>> -> memref<80x128xf32, #tpu.memory_space<hbm>>
        %dma_wait3A_44 = arith.constant 0 : i32
        %dma_wait3A_45 = tpu.memref_slice %arg2[%mul3A_27, %dma_wait3A_44] : memref<40960x128xf32, #tpu.memory_space<hbm>> -> memref<80x128xf32, #tpu.memory_space<hbm>>
        tpu.wait_dma2 semaphore(%run_scoped3A : memref<!tpu.dma_semaphore, #tpu.memory_space<semaphore_mem>>) src(%dma_wait3A_45 : memref<80x128xf32, #tpu.memory_space<hbm>>) dst(%arg7 : memref<80x128xf32, #tpu.memory_space<vmem>>)
        tpu.yield
      }) : () -> ()
      %add3A_28 = arith.constant 1 : i32
      %add3A_29 = arith.addi %add3A_19, %add3A_28 : i32
      "tpu.region"() ({
        %run_scoped3A = tpu.sem_alloc : memref<!tpu.dma_semaphore, #tpu.memory_space<semaphore_mem>>
        %dma_start3A_38 = arith.constant 0 : i32
        %dma_start3A_39 = tpu.memref_slice %arg3[%add3A_29, %dma_start3A_38] : memref<512x80xi32, #tpu.memory_space<hbm>> -> memref<1x80xi32, #tpu.memory_space<hbm>>
        %dma_start3A_40 = tpu.memref_squeeze %dma_start3A_39 : memref<1x80xi32, #tpu.memory_space<hbm>> -> memref<80xi32, #tpu.memory_space<hbm>>
        %dma_start3A_41 = arith.constant 0 : i32
        %dma_start3A_42 = tpu.memref_slice %arg3[%add3A_29, %dma_start3A_41] : memref<512x80xi32, #tpu.memory_space<hbm>> -> memref<1x80xi32, #tpu.memory_space<hbm>>
        %dma_start3A_43 = tpu.memref_squeeze %dma_start3A_42 : memref<1x80xi32, #tpu.memory_space<hbm>> -> memref<80xi32, #tpu.memory_space<hbm>>
        tpu.enqueue_dma source(%dma_start3A_43 : memref<80xi32, #tpu.memory_space<hbm>>) target(%arg9 : memref<80xi32, #tpu.memory_space<vmem>>) target_semaphore(%run_scoped3A : memref<!tpu.dma_semaphore, #tpu.memory_space<semaphore_mem>>)
        %dma_wait3A_44 = arith.constant 0 : i32
        %dma_wait3A_45 = tpu.memref_slice %arg3[%add3A_29, %dma_wait3A_44] : memref<512x80xi32, #tpu.memory_space<hbm>> -> memref<1x80xi32, #tpu.memory_space<hbm>>
        %dma_wait3A_46 = tpu.memref_squeeze %dma_wait3A_45 : memref<1x80xi32, #tpu.memory_space<hbm>> -> memref<80xi32, #tpu.memory_space<hbm>>
        %dma_wait3A_47 = arith.constant 0 : i32
        %dma_wait3A_48 = tpu.memref_slice %arg3[%add3A_29, %dma_wait3A_47] : memref<512x80xi32, #tpu.memory_space<hbm>> -> memref<1x80xi32, #tpu.memory_space<hbm>>
        %dma_wait3A_49 = tpu.memref_squeeze %dma_wait3A_48 : memref<1x80xi32, #tpu.memory_space<hbm>> -> memref<80xi32, #tpu.memory_space<hbm>>
        tpu.wait_dma2 semaphore(%run_scoped3A : memref<!tpu.dma_semaphore, #tpu.memory_space<semaphore_mem>>) src(%dma_wait3A_49 : memref<80xi32, #tpu.memory_space<hbm>>) dst(%arg9 : memref<80xi32, #tpu.memory_space<vmem>>)
        tpu.yield
      }) : () -> ()
      %dma_wait3A = arith.constant 0 : i32
      %dma_wait3A_30 = arith.constant 0 : i32
      %dma_wait3A_31 = tpu.memref_slice %arg10[%dma_wait3A, %dma_wait3A_30] : memref<520x128xf32, #tpu.memory_space<vmem_shared>> -> memref<520x128xf32, #tpu.memory_space<vmem_shared>>
      tpu.wait_indirect_dma semaphore(%arg11 : memref<!tpu.dma_semaphore, #tpu.memory_space<semaphore_mem>>) src(%arg6 : memref<80x128xf32, #tpu.memory_space<vmem>>) dst(%dma_wait3A_31 : memref<520x128xf32, #tpu.memory_space<vmem_shared>>)
      %dma_start3A_32 = arith.constant 0 : i32
      %dma_start3A_33 = arith.constant 0 : i32
      %dma_start3A_34 = tpu.memref_slice %arg10[%dma_start3A_32, %dma_start3A_33] : memref<520x128xf32, #tpu.memory_space<vmem_shared>> -> memref<520x128xf32, #tpu.memory_space<vmem_shared>>
      tpu.enqueue_indirect_dma source(%arg7 : memref<80x128xf32, #tpu.memory_space<vmem>>) target(%dma_start3A_34 : memref<520x128xf32, #tpu.memory_space<vmem_shared>>) offsets(%arg9 : memref<80xi32, #tpu.memory_space<vmem>>) semaphore(%arg11 : memref<!tpu.dma_semaphore, #tpu.memory_space<semaphore_mem>>) {add = true}
      %dma_wait3A_35 = arith.constant 0 : i32
      %dma_wait3A_36 = arith.constant 0 : i32
      %dma_wait3A_37 = tpu.memref_slice %arg10[%dma_wait3A_35, %dma_wait3A_36] : memref<520x128xf32, #tpu.memory_space<vmem_shared>> -> memref<520x128xf32, #tpu.memory_space<vmem_shared>>
      tpu.wait_indirect_dma semaphore(%arg11 : memref<!tpu.dma_semaphore, #tpu.memory_space<semaphore_mem>>) src(%arg7 : memref<80x128xf32, #tpu.memory_space<vmem>>) dst(%dma_wait3A_37 : memref<520x128xf32, #tpu.memory_space<vmem_shared>>)
    }
    %scan3A_7 = arith.constant 8 : i32
    %barrier3A_8 = arith.constant 0 : index
    tpu.barrier barrier_id(%barrier3A_8)
    %eq3A_9 = arith.constant 0 : i32
    %eq3A_10 = arith.cmpi eq, %arg1, %eq3A_9 : i32
    %convert_element_type3A_11 = arith.extui %eq3A_10 : i1 to i32
    %cond3A_12 = arith.constant 0 : i32
    %cond3A_13 = arith.cmpi ne, %convert_element_type3A_11, %cond3A_12 : i32
    scf.if %cond3A_13 {
      "tpu.region"() ({
        %run_scoped3A = tpu.sem_alloc : memref<!tpu.dma_semaphore, #tpu.memory_space<semaphore_mem>>
        %dma_start3A = arith.constant 0 : i32
        %dma_start3A_14 = arith.constant 0 : i32
        %dma_start3A_15 = tpu.memref_slice %arg5[%arg0, %dma_start3A, %dma_start3A_14] : memref<2x512x128xf32, #tpu.memory_space<hbm>> -> memref<1x512x128xf32, #tpu.memory_space<hbm>>
        %dma_start3A_16 = tpu.memref_squeeze %dma_start3A_15 : memref<1x512x128xf32, #tpu.memory_space<hbm>> -> memref<512x128xf32, #tpu.memory_space<hbm>>
        %dma_start3A_17 = arith.constant 0 : i32
        %dma_start3A_18 = arith.constant 0 : i32
        %dma_start3A_19 = tpu.memref_slice %arg10[%dma_start3A_17, %dma_start3A_18] : memref<520x128xf32, #tpu.memory_space<vmem_shared>> -> memref<512x128xf32, #tpu.memory_space<vmem_shared>>
        tpu.enqueue_dma source(%dma_start3A_19 : memref<512x128xf32, #tpu.memory_space<vmem_shared>>) target(%dma_start3A_16 : memref<512x128xf32, #tpu.memory_space<hbm>>) target_semaphore(%run_scoped3A : memref<!tpu.dma_semaphore, #tpu.memory_space<semaphore_mem>>)
        %dma_wait3A = arith.constant 0 : i32
        %dma_wait3A_20 = arith.constant 0 : i32
        %dma_wait3A_21 = tpu.memref_slice %arg5[%arg0, %dma_wait3A, %dma_wait3A_20] : memref<2x512x128xf32, #tpu.memory_space<hbm>> -> memref<1x512x128xf32, #tpu.memory_space<hbm>>
        %dma_wait3A_22 = tpu.memref_squeeze %dma_wait3A_21 : memref<1x512x128xf32, #tpu.memory_space<hbm>> -> memref<512x128xf32, #tpu.memory_space<hbm>>
        %dma_wait3A_23 = arith.constant 0 : i32
        %dma_wait3A_24 = arith.constant 0 : i32
        %dma_wait3A_25 = tpu.memref_slice %arg10[%dma_wait3A_23, %dma_wait3A_24] : memref<520x128xf32, #tpu.memory_space<vmem_shared>> -> memref<512x128xf32, #tpu.memory_space<vmem_shared>>
        tpu.wait_dma2 semaphore(%run_scoped3A : memref<!tpu.dma_semaphore, #tpu.memory_space<semaphore_mem>>) src(%dma_wait3A_25 : memref<512x128xf32, #tpu.memory_space<vmem_shared>>) dst(%dma_wait3A_22 : memref<512x128xf32, #tpu.memory_space<hbm>>)
        tpu.yield
      }) : () -> ()
    } else {
    }
    return
  }
}

#map = affine_map<(d0, d1) -> (0, 0)>
module attributes {stable_mosaic.version = 14 : i64} {
  func.func @_sc_gather_body(%arg0: i32, %arg1: i32, %arg2: memref<512x80xi32, #tpu.memory_space<hbm>>, %arg3: memref<262144x128xf32, #tpu.memory_space<hbm>>, %arg4: memref<40960x128xf32, #tpu.memory_space<hbm>>, %arg5: memref<80xi32, #tpu.memory_space<vmem>>, %arg6: memref<80xi32, #tpu.memory_space<vmem>>, %arg7: memref<80x128xf32, #tpu.memory_space<vmem>>, %arg8: memref<80x128xf32, #tpu.memory_space<vmem>>, %arg9: memref<!tpu.dma_semaphore, #tpu.memory_space<semaphore_mem>>) attributes {dimension_semantics = [#tpu.dimension_semantics<core_parallel>, #tpu.dimension_semantics<subcore_parallel>], iteration_bounds = array<i64: 2, 16>, scalar_prefetch = 0 : i64, scratch_operands = 5 : i64, tpu.core_type = #tpu.core_type<sc_vector_subcore>, window_params = [{transform_indices = #map}, {transform_indices = #map}, {transform_indices = #map}]} {
    %mul3A = arith.constant 2 : i32
    %mul3A_0 = arith.muli %arg1, %mul3A : i32
    %add3A = arith.addi %mul3A_0, %arg0 : i32
    %scan3A = arith.constant 0 : i32
    %scan3A_1 = arith.constant 0 : i32
    %scan3A_2 = arith.constant 8 : i32
    %scan3A_3 = arith.addi %scan3A_1, %scan3A_2 : i32
    %scan3A_4 = arith.constant 1 : i32
    scf.for %scan3A_6 = %scan3A_1 to %scan3A_3 step %scan3A_4  : i32 {
      %mul3A_7 = arith.constant 16 : i32
      %mul3A_8 = arith.muli %add3A, %mul3A_7 : i32
      %mul3A_9 = arith.constant 2 : i32
      %mul3A_10 = arith.muli %scan3A_6, %mul3A_9 : i32
      %add3A_11 = arith.addi %mul3A_8, %mul3A_10 : i32
      "tpu.region"() ({
        %run_scoped3A = tpu.sem_alloc : memref<!tpu.dma_semaphore, #tpu.memory_space<semaphore_mem>>
        %dma_start3A_30 = arith.constant 0 : i32
        %dma_start3A_31 = tpu.memref_slice %arg2[%add3A_11, %dma_start3A_30] : memref<512x80xi32, #tpu.memory_space<hbm>> -> memref<1x80xi32, #tpu.memory_space<hbm>>
        %dma_start3A_32 = tpu.memref_squeeze %dma_start3A_31 : memref<1x80xi32, #tpu.memory_space<hbm>> -> memref<80xi32, #tpu.memory_space<hbm>>
        %dma_start3A_33 = arith.constant 0 : i32
        %dma_start3A_34 = tpu.memref_slice %arg2[%add3A_11, %dma_start3A_33] : memref<512x80xi32, #tpu.memory_space<hbm>> -> memref<1x80xi32, #tpu.memory_space<hbm>>
        %dma_start3A_35 = tpu.memref_squeeze %dma_start3A_34 : memref<1x80xi32, #tpu.memory_space<hbm>> -> memref<80xi32, #tpu.memory_space<hbm>>
        tpu.enqueue_dma source(%dma_start3A_35 : memref<80xi32, #tpu.memory_space<hbm>>) target(%arg5 : memref<80xi32, #tpu.memory_space<vmem>>) target_semaphore(%run_scoped3A : memref<!tpu.dma_semaphore, #tpu.memory_space<semaphore_mem>>)
        %dma_wait3A_36 = arith.constant 0 : i32
        %dma_wait3A_37 = tpu.memref_slice %arg2[%add3A_11, %dma_wait3A_36] : memref<512x80xi32, #tpu.memory_space<hbm>> -> memref<1x80xi32, #tpu.memory_space<hbm>>
        %dma_wait3A_38 = tpu.memref_squeeze %dma_wait3A_37 : memref<1x80xi32, #tpu.memory_space<hbm>> -> memref<80xi32, #tpu.memory_space<hbm>>
        %dma_wait3A_39 = arith.constant 0 : i32
        %dma_wait3A_40 = tpu.memref_slice %arg2[%add3A_11, %dma_wait3A_39] : memref<512x80xi32, #tpu.memory_space<hbm>> -> memref<1x80xi32, #tpu.memory_space<hbm>>
        %dma_wait3A_41 = tpu.memref_squeeze %dma_wait3A_40 : memref<1x80xi32, #tpu.memory_space<hbm>> -> memref<80xi32, #tpu.memory_space<hbm>>
        tpu.wait_dma2 semaphore(%run_scoped3A : memref<!tpu.dma_semaphore, #tpu.memory_space<semaphore_mem>>) src(%dma_wait3A_41 : memref<80xi32, #tpu.memory_space<hbm>>) dst(%arg5 : memref<80xi32, #tpu.memory_space<vmem>>)
        tpu.yield
      }) : () -> ()
      %dma_start3A = arith.constant 0 : i32
      %dma_start3A_12 = arith.constant 0 : i32
      %dma_start3A_13 = tpu.memref_slice %arg3[%dma_start3A, %dma_start3A_12] : memref<262144x128xf32, #tpu.memory_space<hbm>> -> memref<262144x128xf32, #tpu.memory_space<hbm>>
      tpu.enqueue_indirect_dma source(%dma_start3A_13 : memref<262144x128xf32, #tpu.memory_space<hbm>>) target(%arg7 : memref<80x128xf32, #tpu.memory_space<vmem>>) offsets(%arg5 : memref<80xi32, #tpu.memory_space<vmem>>) semaphore(%arg9 : memref<!tpu.dma_semaphore, #tpu.memory_space<semaphore_mem>>)
      %add3A_14 = arith.constant 1 : i32
      %add3A_15 = arith.addi %add3A_11, %add3A_14 : i32
      "tpu.region"() ({
        %run_scoped3A = tpu.sem_alloc : memref<!tpu.dma_semaphore, #tpu.memory_space<semaphore_mem>>
        %dma_start3A_30 = arith.constant 0 : i32
        %dma_start3A_31 = tpu.memref_slice %arg2[%add3A_15, %dma_start3A_30] : memref<512x80xi32, #tpu.memory_space<hbm>> -> memref<1x80xi32, #tpu.memory_space<hbm>>
        %dma_start3A_32 = tpu.memref_squeeze %dma_start3A_31 : memref<1x80xi32, #tpu.memory_space<hbm>> -> memref<80xi32, #tpu.memory_space<hbm>>
        %dma_start3A_33 = arith.constant 0 : i32
        %dma_start3A_34 = tpu.memref_slice %arg2[%add3A_15, %dma_start3A_33] : memref<512x80xi32, #tpu.memory_space<hbm>> -> memref<1x80xi32, #tpu.memory_space<hbm>>
        %dma_start3A_35 = tpu.memref_squeeze %dma_start3A_34 : memref<1x80xi32, #tpu.memory_space<hbm>> -> memref<80xi32, #tpu.memory_space<hbm>>
        tpu.enqueue_dma source(%dma_start3A_35 : memref<80xi32, #tpu.memory_space<hbm>>) target(%arg6 : memref<80xi32, #tpu.memory_space<vmem>>) target_semaphore(%run_scoped3A : memref<!tpu.dma_semaphore, #tpu.memory_space<semaphore_mem>>)
        %dma_wait3A_36 = arith.constant 0 : i32
        %dma_wait3A_37 = tpu.memref_slice %arg2[%add3A_15, %dma_wait3A_36] : memref<512x80xi32, #tpu.memory_space<hbm>> -> memref<1x80xi32, #tpu.memory_space<hbm>>
        %dma_wait3A_38 = tpu.memref_squeeze %dma_wait3A_37 : memref<1x80xi32, #tpu.memory_space<hbm>> -> memref<80xi32, #tpu.memory_space<hbm>>
        %dma_wait3A_39 = arith.constant 0 : i32
        %dma_wait3A_40 = tpu.memref_slice %arg2[%add3A_15, %dma_wait3A_39] : memref<512x80xi32, #tpu.memory_space<hbm>> -> memref<1x80xi32, #tpu.memory_space<hbm>>
        %dma_wait3A_41 = tpu.memref_squeeze %dma_wait3A_40 : memref<1x80xi32, #tpu.memory_space<hbm>> -> memref<80xi32, #tpu.memory_space<hbm>>
        tpu.wait_dma2 semaphore(%run_scoped3A : memref<!tpu.dma_semaphore, #tpu.memory_space<semaphore_mem>>) src(%dma_wait3A_41 : memref<80xi32, #tpu.memory_space<hbm>>) dst(%arg6 : memref<80xi32, #tpu.memory_space<vmem>>)
        tpu.yield
      }) : () -> ()
      %dma_wait3A = arith.constant 0 : i32
      %dma_wait3A_16 = arith.constant 0 : i32
      %dma_wait3A_17 = tpu.memref_slice %arg3[%dma_wait3A, %dma_wait3A_16] : memref<262144x128xf32, #tpu.memory_space<hbm>> -> memref<262144x128xf32, #tpu.memory_space<hbm>>
      tpu.wait_indirect_dma semaphore(%arg9 : memref<!tpu.dma_semaphore, #tpu.memory_space<semaphore_mem>>) src(%dma_wait3A_17 : memref<262144x128xf32, #tpu.memory_space<hbm>>) dst(%arg7 : memref<80x128xf32, #tpu.memory_space<vmem>>)
      %dma_start3A_18 = arith.constant 0 : i32
      %dma_start3A_19 = arith.constant 0 : i32
      %dma_start3A_20 = tpu.memref_slice %arg3[%dma_start3A_18, %dma_start3A_19] : memref<262144x128xf32, #tpu.memory_space<hbm>> -> memref<262144x128xf32, #tpu.memory_space<hbm>>
      tpu.enqueue_indirect_dma source(%dma_start3A_20 : memref<262144x128xf32, #tpu.memory_space<hbm>>) target(%arg8 : memref<80x128xf32, #tpu.memory_space<vmem>>) offsets(%arg6 : memref<80xi32, #tpu.memory_space<vmem>>) semaphore(%arg9 : memref<!tpu.dma_semaphore, #tpu.memory_space<semaphore_mem>>)
      %mul3A_21 = arith.constant 80 : i32
      %mul3A_22 = arith.muli %add3A_11, %mul3A_21 : i32
      "tpu.region"() ({
        %run_scoped3A = tpu.sem_alloc : memref<!tpu.dma_semaphore, #tpu.memory_space<semaphore_mem>>
        %dma_start3A_30 = arith.constant 0 : i32
        %dma_start3A_31 = tpu.memref_slice %arg4[%mul3A_22, %dma_start3A_30] : memref<40960x128xf32, #tpu.memory_space<hbm>> -> memref<80x128xf32, #tpu.memory_space<hbm>>
        %dma_start3A_32 = arith.constant 0 : i32
        %dma_start3A_33 = tpu.memref_slice %arg4[%mul3A_22, %dma_start3A_32] : memref<40960x128xf32, #tpu.memory_space<hbm>> -> memref<80x128xf32, #tpu.memory_space<hbm>>
        tpu.enqueue_dma source(%arg7 : memref<80x128xf32, #tpu.memory_space<vmem>>) target(%dma_start3A_33 : memref<80x128xf32, #tpu.memory_space<hbm>>) target_semaphore(%run_scoped3A : memref<!tpu.dma_semaphore, #tpu.memory_space<semaphore_mem>>)
        %dma_wait3A_34 = arith.constant 0 : i32
        %dma_wait3A_35 = tpu.memref_slice %arg4[%mul3A_22, %dma_wait3A_34] : memref<40960x128xf32, #tpu.memory_space<hbm>> -> memref<80x128xf32, #tpu.memory_space<hbm>>
        %dma_wait3A_36 = arith.constant 0 : i32
        %dma_wait3A_37 = tpu.memref_slice %arg4[%mul3A_22, %dma_wait3A_36] : memref<40960x128xf32, #tpu.memory_space<hbm>> -> memref<80x128xf32, #tpu.memory_space<hbm>>
        tpu.wait_dma2 semaphore(%run_scoped3A : memref<!tpu.dma_semaphore, #tpu.memory_space<semaphore_mem>>) src(%arg7 : memref<80x128xf32, #tpu.memory_space<vmem>>) dst(%dma_wait3A_37 : memref<80x128xf32, #tpu.memory_space<hbm>>)
        tpu.yield
      }) : () -> ()
      %dma_wait3A_23 = arith.constant 0 : i32
      %dma_wait3A_24 = arith.constant 0 : i32
      %dma_wait3A_25 = tpu.memref_slice %arg3[%dma_wait3A_23, %dma_wait3A_24] : memref<262144x128xf32, #tpu.memory_space<hbm>> -> memref<262144x128xf32, #tpu.memory_space<hbm>>
      tpu.wait_indirect_dma semaphore(%arg9 : memref<!tpu.dma_semaphore, #tpu.memory_space<semaphore_mem>>) src(%dma_wait3A_25 : memref<262144x128xf32, #tpu.memory_space<hbm>>) dst(%arg8 : memref<80x128xf32, #tpu.memory_space<vmem>>)
      %add3A_26 = arith.constant 1 : i32
      %add3A_27 = arith.addi %add3A_11, %add3A_26 : i32
      %mul3A_28 = arith.constant 80 : i32
      %mul3A_29 = arith.muli %add3A_27, %mul3A_28 : i32
      "tpu.region"() ({
        %run_scoped3A = tpu.sem_alloc : memref<!tpu.dma_semaphore, #tpu.memory_space<semaphore_mem>>
        %dma_start3A_30 = arith.constant 0 : i32
        %dma_start3A_31 = tpu.memref_slice %arg4[%mul3A_29, %dma_start3A_30] : memref<40960x128xf32, #tpu.memory_space<hbm>> -> memref<80x128xf32, #tpu.memory_space<hbm>>
        %dma_start3A_32 = arith.constant 0 : i32
        %dma_start3A_33 = tpu.memref_slice %arg4[%mul3A_29, %dma_start3A_32] : memref<40960x128xf32, #tpu.memory_space<hbm>> -> memref<80x128xf32, #tpu.memory_space<hbm>>
        tpu.enqueue_dma source(%arg8 : memref<80x128xf32, #tpu.memory_space<vmem>>) target(%dma_start3A_33 : memref<80x128xf32, #tpu.memory_space<hbm>>) target_semaphore(%run_scoped3A : memref<!tpu.dma_semaphore, #tpu.memory_space<semaphore_mem>>)
        %dma_wait3A_34 = arith.constant 0 : i32
        %dma_wait3A_35 = tpu.memref_slice %arg4[%mul3A_29, %dma_wait3A_34] : memref<40960x128xf32, #tpu.memory_space<hbm>> -> memref<80x128xf32, #tpu.memory_space<hbm>>
        %dma_wait3A_36 = arith.constant 0 : i32
        %dma_wait3A_37 = tpu.memref_slice %arg4[%mul3A_29, %dma_wait3A_36] : memref<40960x128xf32, #tpu.memory_space<hbm>> -> memref<80x128xf32, #tpu.memory_space<hbm>>
        tpu.wait_dma2 semaphore(%run_scoped3A : memref<!tpu.dma_semaphore, #tpu.memory_space<semaphore_mem>>) src(%arg8 : memref<80x128xf32, #tpu.memory_space<vmem>>) dst(%dma_wait3A_37 : memref<80x128xf32, #tpu.memory_space<hbm>>)
        tpu.yield
      }) : () -> ()
    }
    %scan3A_5 = arith.constant 8 : i32
    return
  }
}

module attributes {stable_mosaic.version = 14 : i64} {
  func.func @_mask_kernel(%arg0: memref<512x8xf32, #tpu.memory_space<vmem>>, %arg1: memref<8x512xf32, #tpu.memory_space<vmem>>, %arg2: memref<512x1xi32, #tpu.memory_space<vmem>>, %arg3: memref<1x512xi32, #tpu.memory_space<vmem>>, %arg4: memref<80x512xi32, #tpu.memory_space<vmem>>, %arg5: memref<80x512xi32, #tpu.memory_space<vmem>>, %arg6: memref<80x512xf32, #tpu.memory_space<vmem>>, %arg7: memref<80x512xf32, #tpu.memory_space<vmem>>, %arg8: memref<80x512xf32, #tpu.memory_space<vmem>>, %arg9: memref<80x512xf32, #tpu.memory_space<vmem>>, %arg10: memref<512x512xi32, #tpu.memory_space<vmem>>) attributes {dimension_semantics = [], scalar_prefetch = 0 : i64, scratch_operands = 1 : i64, tpu.core_type = #tpu.core_type<tc>} {
    %get3A = arith.constant 0 : index
    %get3A_0 = arith.constant 0 : index
    %get3A_1 = vector.load %arg1[%get3A, %get3A_0] : memref<8x512xf32, #tpu.memory_space<vmem>>, vector<1x512xf32>
    %get3A_2 = arith.constant 0 : index
    %get3A_3 = arith.constant 0 : index
    %get3A_4 = vector.load %arg0[%get3A_2, %get3A_3] : memref<512x8xf32, #tpu.memory_space<vmem>>, vector<512x1xf32>
    %sub3A = vector.broadcast %get3A_1 : vector<1x512xf32> to vector<512x512xf32>
    %sub3A_5 = vector.broadcast %get3A_4 : vector<512x1xf32> to vector<512x512xf32>
    %sub3A_6 = arith.subf %sub3A, %sub3A_5 : vector<512x512xf32>
    %get3A_7 = arith.constant 1 : index
    %get3A_8 = arith.constant 0 : index
    %get3A_9 = vector.load %arg1[%get3A_7, %get3A_8] : memref<8x512xf32, #tpu.memory_space<vmem>>, vector<1x512xf32>
    %get3A_10 = arith.constant 0 : index
    %get3A_11 = arith.constant 1 : index
    %get3A_12 = vector.load %arg0[%get3A_10, %get3A_11] : memref<512x8xf32, #tpu.memory_space<vmem>>, vector<512x1xf32>
    %sub3A_13 = vector.broadcast %get3A_9 : vector<1x512xf32> to vector<512x512xf32>
    %sub3A_14 = vector.broadcast %get3A_12 : vector<512x1xf32> to vector<512x512xf32>
    %sub3A_15 = arith.subf %sub3A_13, %sub3A_14 : vector<512x512xf32>
    %get3A_16 = arith.constant 2 : index
    %get3A_17 = arith.constant 0 : index
    %get3A_18 = vector.load %arg1[%get3A_16, %get3A_17] : memref<8x512xf32, #tpu.memory_space<vmem>>, vector<1x512xf32>
    %get3A_19 = arith.constant 0 : index
    %get3A_20 = arith.constant 2 : index
    %get3A_21 = vector.load %arg0[%get3A_19, %get3A_20] : memref<512x8xf32, #tpu.memory_space<vmem>>, vector<512x1xf32>
    %sub3A_22 = vector.broadcast %get3A_18 : vector<1x512xf32> to vector<512x512xf32>
    %sub3A_23 = vector.broadcast %get3A_21 : vector<512x1xf32> to vector<512x512xf32>
    %sub3A_24 = arith.subf %sub3A_22, %sub3A_23 : vector<512x512xf32>
    %mul3A = arith.mulf %sub3A_6, %sub3A_6 : vector<512x512xf32>
    %mul3A_25 = arith.mulf %sub3A_15, %sub3A_15 : vector<512x512xf32>
    %add3A = arith.addf %mul3A, %mul3A_25 : vector<512x512xf32>
    %mul3A_26 = arith.mulf %sub3A_24, %sub3A_24 : vector<512x512xf32>
    %add3A_27 = arith.addf %add3A, %mul3A_26 : vector<512x512xf32>
    %iota3A = tpu.iota {dimensions = array<i32: 0>} : vector<512x512xi32>
    %iota3A_28 = tpu.iota {dimensions = array<i32: 1>} : vector<512x512xi32>
    %eq3A = arith.cmpi eq, %iota3A, %iota3A_28 : vector<512x512xi32>
    %add3A_29 = arith.constant 9.99999996E-13 : f32
    %add3A_30 = vector.broadcast %add3A_29 : f32 to vector<512x512xf32>
    %add3A_31 = arith.addf %add3A_27, %add3A_30 : vector<512x512xf32>
    %sqrt3A = math.sqrt %add3A_31 : vector<512x512xf32>
    %jit3A = arith.constant 1.000000e+03 : f32
    %jit3A_32 = arith.constant 0.000000e+00 : f32
    %broadcast_in_dim3A = vector.broadcast %jit3A : f32 to vector<512x512xf32>
    %broadcast_in_dim3A_33 = vector.broadcast %jit3A_32 : f32 to vector<512x512xf32>
    %select_n3A = arith.select %eq3A, %broadcast_in_dim3A, %broadcast_in_dim3A_33 : vector<512x512xi1>, vector<512x512xf32>
    %add3A_34 = arith.addf %sqrt3A, %select_n3A : vector<512x512xf32>
    %bitcast_convert_type3A = tpu.bitcast %add3A_34 : vector<512x512xf32> -> vector<512x512xi32>
    %broadcast_in_dim3A_35 = arith.constant -1 : i32
    %broadcast_in_dim3A_36 = vector.broadcast %broadcast_in_dim3A_35 : i32 to vector<1x512xi32>
    %broadcast_in_dim3A_37 = arith.constant 2139095039 : i32
    %broadcast_in_dim3A_38 = vector.broadcast %broadcast_in_dim3A_37 : i32 to vector<1x512xi32>
    %scan3A = arith.constant 0 : i32
    %scan3A_39 = arith.constant 31 : i32
    %scan3A_40 = arith.addi %scan3A, %scan3A_39 : i32
    %scan3A_41 = arith.constant 1 : i32
    %scan3A_42:2 = scf.for %scan3A_95 = %scan3A to %scan3A_40 step %scan3A_41 iter_args(%scan3A_96 = %broadcast_in_dim3A_36, %scan3A_97 = %broadcast_in_dim3A_38) -> (vector<1x512xi32>, vector<1x512xi32>)  : i32 {
      %sub3A_98 = arith.subi %scan3A_97, %scan3A_96 : vector<1x512xi32>
      %shift_right_logical3A = arith.constant 1 : i32
      %shift_right_logical3A_99 = vector.broadcast %shift_right_logical3A : i32 to vector<1x512xi32>
      %shift_right_logical3A_100 = arith.shrui %sub3A_98, %shift_right_logical3A_99 : vector<1x512xi32>
      %add3A_101 = arith.addi %scan3A_96, %shift_right_logical3A_100 : vector<1x512xi32>
      %le3A_102 = vector.broadcast %add3A_101 : vector<1x512xi32> to vector<512x512xi32>
      %le3A_103 = arith.cmpi sle, %bitcast_convert_type3A, %le3A_102 : vector<512x512xi32>
      %convert_element_type3A_104 = arith.extui %le3A_103 : vector<512x512xi1> to vector<512x512xi32>
      %reduce_sum3A_105 = arith.constant dense<0> : vector<512xi32>
      %reduce_sum3A_106 = vector.multi_reduction <add>, %convert_element_type3A_104, %reduce_sum3A_105 [0] : vector<512x512xi32> to vector<512xi32>
      %broadcast_in_dim3A_107 = vector.shape_cast %reduce_sum3A_106 : vector<512xi32> to vector<1x512xi32>
      %ge3A = arith.constant 64 : i32
      %ge3A_108 = vector.broadcast %ge3A : i32 to vector<1x512xi32>
      %ge3A_109 = arith.cmpi sge, %broadcast_in_dim3A_107, %ge3A_108 : vector<1x512xi32>
      %select_n3A_110 = arith.select %ge3A_109, %scan3A_96, %add3A_101 : vector<1x512xi1>, vector<1x512xi32>
      %select_n3A_111 = arith.select %ge3A_109, %add3A_101, %scan3A_97 : vector<1x512xi1>, vector<1x512xi32>
      scf.yield %select_n3A_110, %select_n3A_111 : vector<1x512xi32>, vector<1x512xi32>
    }
    %eq3A_43 = vector.broadcast %scan3A_42#1 : vector<1x512xi32> to vector<512x512xi32>
    %eq3A_44 = arith.cmpi eq, %bitcast_convert_type3A, %eq3A_43 : vector<512x512xi32>
    %lt3A = vector.broadcast %scan3A_42#1 : vector<1x512xi32> to vector<512x512xi32>
    %lt3A_45 = arith.cmpi slt, %bitcast_convert_type3A, %lt3A : vector<512x512xi32>
    %convert_element_type3A = arith.extui %lt3A_45 : vector<512x512xi1> to vector<512x512xi32>
    %reduce_sum3A = arith.constant dense<0> : vector<512xi32>
    %reduce_sum3A_46 = vector.multi_reduction <add>, %convert_element_type3A, %reduce_sum3A [0] : vector<512x512xi32> to vector<512xi32>
    %broadcast_in_dim3A_47 = vector.shape_cast %reduce_sum3A_46 : vector<512xi32> to vector<1x512xi32>
    %sub3A_48 = arith.constant 64 : i32
    %sub3A_49 = vector.broadcast %sub3A_48 : i32 to vector<1x512xi32>
    %sub3A_50 = arith.subi %sub3A_49, %broadcast_in_dim3A_47 : vector<1x512xi32>
    %broadcast_in_dim3A_51 = arith.constant -1 : i32
    %broadcast_in_dim3A_52 = vector.broadcast %broadcast_in_dim3A_51 : i32 to vector<1x512xi32>
    %broadcast_in_dim3A_53 = arith.constant 511 : i32
    %broadcast_in_dim3A_54 = vector.broadcast %broadcast_in_dim3A_53 : i32 to vector<1x512xi32>
    %scan3A_55 = arith.constant 0 : i32
    %scan3A_56 = arith.constant 10 : i32
    %scan3A_57 = arith.addi %scan3A_55, %scan3A_56 : i32
    %scan3A_58 = arith.constant 1 : i32
    %scan3A_59:2 = scf.for %scan3A_95 = %scan3A_55 to %scan3A_57 step %scan3A_58 iter_args(%scan3A_96 = %broadcast_in_dim3A_52, %scan3A_97 = %broadcast_in_dim3A_54) -> (vector<1x512xi32>, vector<1x512xi32>)  : i32 {
      %sub3A_98 = arith.subi %scan3A_97, %scan3A_96 : vector<1x512xi32>
      %shift_right_logical3A = arith.constant 1 : i32
      %shift_right_logical3A_99 = vector.broadcast %shift_right_logical3A : i32 to vector<1x512xi32>
      %shift_right_logical3A_100 = arith.shrui %sub3A_98, %shift_right_logical3A_99 : vector<1x512xi32>
      %add3A_101 = arith.addi %scan3A_96, %shift_right_logical3A_100 : vector<1x512xi32>
      %le3A_102 = vector.broadcast %add3A_101 : vector<1x512xi32> to vector<512x512xi32>
      %le3A_103 = arith.cmpi sle, %iota3A, %le3A_102 : vector<512x512xi32>
      %and3A_104 = arith.andi %eq3A_44, %le3A_103 : vector<512x512xi1>
      %convert_element_type3A_105 = arith.extui %and3A_104 : vector<512x512xi1> to vector<512x512xi32>
      %reduce_sum3A_106 = arith.constant dense<0> : vector<512xi32>
      %reduce_sum3A_107 = vector.multi_reduction <add>, %convert_element_type3A_105, %reduce_sum3A_106 [0] : vector<512x512xi32> to vector<512xi32>
      %broadcast_in_dim3A_108 = vector.shape_cast %reduce_sum3A_107 : vector<512xi32> to vector<1x512xi32>
      %ge3A = arith.cmpi sge, %broadcast_in_dim3A_108, %sub3A_50 : vector<1x512xi32>
      %select_n3A_109 = arith.select %ge3A, %scan3A_96, %add3A_101 : vector<1x512xi1>, vector<1x512xi32>
      %select_n3A_110 = arith.select %ge3A, %add3A_101, %scan3A_97 : vector<1x512xi1>, vector<1x512xi32>
      scf.yield %select_n3A_109, %select_n3A_110 : vector<1x512xi32>, vector<1x512xi32>
    }
    %lt3A_60 = vector.broadcast %scan3A_42#1 : vector<1x512xi32> to vector<512x512xi32>
    %lt3A_61 = arith.cmpi slt, %bitcast_convert_type3A, %lt3A_60 : vector<512x512xi32>
    %eq3A_62 = vector.broadcast %scan3A_42#1 : vector<1x512xi32> to vector<512x512xi32>
    %eq3A_63 = arith.cmpi eq, %bitcast_convert_type3A, %eq3A_62 : vector<512x512xi32>
    %le3A = vector.broadcast %scan3A_59#1 : vector<1x512xi32> to vector<512x512xi32>
    %le3A_64 = arith.cmpi sle, %iota3A, %le3A : vector<512x512xi32>
    %and3A = arith.andi %eq3A_63, %le3A_64 : vector<512x512xi1>
    %or3A = arith.ori %lt3A_61, %and3A : vector<512x512xi1>
    %get3A_65 = arith.constant 0 : index
    %get3A_66 = arith.constant 0 : index
    %get3A_67 = vector.load %arg2[%get3A_65, %get3A_66] : memref<512x1xi32, #tpu.memory_space<vmem>>, vector<512x1xi32>
    %get3A_68 = arith.constant 0 : index
    %get3A_69 = arith.constant 0 : index
    %get3A_70 = vector.load %arg3[%get3A_68, %get3A_69] : memref<1x512xi32, #tpu.memory_space<vmem>>, vector<1x512xi32>
    %sub3A_71 = vector.broadcast %get3A_67 : vector<512x1xi32> to vector<512x512xi32>
    %sub3A_72 = vector.broadcast %get3A_70 : vector<1x512xi32> to vector<512x512xi32>
    %sub3A_73 = arith.subi %sub3A_71, %sub3A_72 : vector<512x512xi32>
    %abs3A = math.absi %sub3A_73 : vector<512x512xi32>
    %lt3A_74 = arith.constant 9 : i32
    %lt3A_75 = vector.broadcast %lt3A_74 : i32 to vector<512x512xi32>
    %lt3A_76 = arith.cmpi slt, %abs3A, %lt3A_75 : vector<512x512xi32>
    %not3A = arith.constant dense<true> : vector<512x512xi1>
    %not3A_77 = arith.xori %eq3A, %not3A : vector<512x512xi1>
    %and3A_78 = arith.andi %lt3A_76, %not3A_77 : vector<512x512xi1>
    %or3A_79 = arith.ori %or3A, %and3A_78 : vector<512x512xi1>
    %jit3A_80 = arith.constant 2139095040 : i32
    %broadcast_in_dim3A_81 = vector.broadcast %jit3A_80 : i32 to vector<512x512xi32>
    %select_n3A_82 = arith.select %or3A_79, %bitcast_convert_type3A, %broadcast_in_dim3A_81 : vector<512x512xi1>, vector<512x512xi32>
    %swap3A = arith.constant 0 : index
    %swap3A_83 = arith.constant 0 : index
    %swap3A_84 = vector.load %arg10[%swap3A, %swap3A_83] : memref<512x512xi32, #tpu.memory_space<vmem>>, vector<512x512xi32>
    tpu.vector_store %arg10[%swap3A, %swap3A_83], %select_n3A_82 {strides = array<i32>} : memref<512x512xi32, #tpu.memory_space<vmem>>, vector<512x512xi32>,
    %iota3A_85 = tpu.iota {dimensions = array<i32: 1>} : vector<1x512xi32>
    %get3A_86 = arith.constant 0 : index
    %get3A_87 = arith.constant 0 : index
    %get3A_88 = vector.load %arg1[%get3A_86, %get3A_87] : memref<8x512xf32, #tpu.memory_space<vmem>>, vector<8x512xf32>
    %scan3A_89 = arith.constant 2139095040 : i32
    %scan3A_90 = arith.constant 0 : i32
    %scan3A_91 = arith.constant 80 : i32
    %scan3A_92 = arith.addi %scan3A_90, %scan3A_91 : i32
    %scan3A_93 = arith.constant 1 : i32
    scf.for %scan3A_95 = %scan3A_90 to %scan3A_92 step %scan3A_93  : i32 {
      %get3A_96 = arith.constant 0 : index
      %get3A_97 = arith.constant 0 : index
      %get3A_98 = vector.load %arg10[%get3A_96, %get3A_97] : memref<512x512xi32, #tpu.memory_space<vmem>>, vector<512x512xi32>
      %reduce_min3A = arith.constant dense<2147483647> : vector<512xi32>
      %reduce_min3A_99 = vector.multi_reduction <minsi>, %get3A_98, %reduce_min3A [0] : vector<512x512xi32> to vector<512xi32>
      %broadcast_in_dim3A_100 = vector.shape_cast %reduce_min3A_99 : vector<512xi32> to vector<1x512xi32>
      %eq3A_101 = vector.broadcast %broadcast_in_dim3A_100 : vector<1x512xi32> to vector<512x512xi32>
      %eq3A_102 = arith.cmpi eq, %get3A_98, %eq3A_101 : vector<512x512xi32>
      %jit3A_103 = arith.constant 512 : i32
      %broadcast_in_dim3A_104 = vector.broadcast %jit3A_103 : i32 to vector<512x512xi32>
      %select_n3A_105 = arith.select %eq3A_102, %iota3A, %broadcast_in_dim3A_104 : vector<512x512xi1>, vector<512x512xi32>
      %reduce_min3A_106 = arith.constant dense<2147483647> : vector<512xi32>
      %reduce_min3A_107 = vector.multi_reduction <minsi>, %select_n3A_105, %reduce_min3A_106 [0] : vector<512x512xi32> to vector<512xi32>
      %broadcast_in_dim3A_108 = vector.shape_cast %reduce_min3A_107 : vector<512xi32> to vector<1x512xi32>
      %lt3A_109 = vector.broadcast %scan3A_89 : i32 to vector<1x512xi32>
      %lt3A_110 = arith.cmpi slt, %broadcast_in_dim3A_100, %lt3A_109 : vector<1x512xi32>
      %jit3A_111 = arith.constant 512 : i32
      %broadcast_in_dim3A_112 = vector.broadcast %jit3A_111 : i32 to vector<1x512xi32>
      %select_n3A_113 = arith.select %lt3A_110, %broadcast_in_dim3A_108, %broadcast_in_dim3A_112 : vector<1x512xi1>, vector<1x512xi32>
      %swap3A_114 = arith.index_cast %scan3A_95 : i32 to index
      %swap3A_115 = arith.constant 0 : index
      %swap3A_116 = vector.load %arg4[%swap3A_114, %swap3A_115] : memref<80x512xi32, #tpu.memory_space<vmem>>, vector<1x512xi32>
      tpu.vector_store %arg4[%swap3A_114, %swap3A_115], %select_n3A_113 {strides = array<i32>} : memref<80x512xi32, #tpu.memory_space<vmem>>, vector<1x512xi32>,
      %mul3A_117 = arith.constant 512 : i32
      %mul3A_118 = vector.broadcast %mul3A_117 : i32 to vector<1x512xi32>
      %mul3A_119 = arith.muli %iota3A_85, %mul3A_118 : vector<1x512xi32>
      %select_n3A_120 = arith.select %lt3A_110, %broadcast_in_dim3A_108, %iota3A_85 : vector<1x512xi1>, vector<1x512xi32>
      %add3A_121 = arith.addi %mul3A_119, %select_n3A_120 : vector<1x512xi32>
      %swap3A_122 = arith.index_cast %scan3A_95 : i32 to index
      %swap3A_123 = arith.constant 0 : index
      %swap3A_124 = vector.load %arg5[%swap3A_122, %swap3A_123] : memref<80x512xi32, #tpu.memory_space<vmem>>, vector<1x512xi32>
      tpu.vector_store %arg5[%swap3A_122, %swap3A_123], %add3A_121 {strides = array<i32>} : memref<80x512xi32, #tpu.memory_space<vmem>>, vector<1x512xi32>,
      %bitcast_convert_type3A_125 = tpu.bitcast %broadcast_in_dim3A_100 : vector<1x512xi32> -> vector<1x512xf32>
      %jit3A_126 = arith.constant 0.000000e+00 : f32
      %broadcast_in_dim3A_127 = vector.broadcast %jit3A_126 : f32 to vector<1x512xf32>
      %select_n3A_128 = arith.select %lt3A_110, %bitcast_convert_type3A_125, %broadcast_in_dim3A_127 : vector<1x512xi1>, vector<1x512xf32>
      %swap3A_129 = arith.index_cast %scan3A_95 : i32 to index
      %swap3A_130 = arith.constant 0 : index
      %swap3A_131 = vector.load %arg6[%swap3A_129, %swap3A_130] : memref<80x512xf32, #tpu.memory_space<vmem>>, vector<1x512xf32>
      tpu.vector_store %arg6[%swap3A_129, %swap3A_130], %select_n3A_128 {strides = array<i32>} : memref<80x512xf32, #tpu.memory_space<vmem>>, vector<1x512xf32>,
      %eq3A_132 = vector.broadcast %broadcast_in_dim3A_108 : vector<1x512xi32> to vector<512x512xi32>
      %eq3A_133 = arith.cmpi eq, %iota3A, %eq3A_132 : vector<512x512xi32>
      %jit3A_134 = arith.constant 1.000000e+00 : f32
      %jit3A_135 = arith.constant 0.000000e+00 : f32
      %broadcast_in_dim3A_136 = vector.broadcast %jit3A_134 : f32 to vector<512x512xf32>
      %broadcast_in_dim3A_137 = vector.broadcast %jit3A_135 : f32 to vector<512x512xf32>
      %select_n3A_138 = arith.select %eq3A_133, %broadcast_in_dim3A_136, %broadcast_in_dim3A_137 : vector<512x512xi1>, vector<512x512xf32>
      %dot_general3A = arith.constant dense<0.000000e+00> : vector<8x512xf32>
      %dot_general3A_139 = tpu.matmul %get3A_88, %select_n3A_138, %dot_general3A {dimension_numbers = #tpu.dot_dimension_numbers<[1], [0], [0], [1], [0, 0, 1, 1], [], []>, transpose_lhs_hint = false} : vector<8x512xf32>, vector<512x512xf32>, vector<8x512xf32> -> vector<8x512xf32>
      %sub3A_140 = arith.subf %dot_general3A_139, %get3A_88 : vector<8x512xf32>
      %slice3A = vector.extract_strided_slice %sub3A_140 {offsets = [0, 0], sizes = [1, 512], strides = [1, 1]} : vector<8x512xf32> to vector<1x512xf32>
      %jit3A_141 = arith.constant 0.000000e+00 : f32
      %broadcast_in_dim3A_142 = vector.broadcast %jit3A_141 : f32 to vector<1x512xf32>
      %select_n3A_143 = arith.select %lt3A_110, %slice3A, %broadcast_in_dim3A_142 : vector<1x512xi1>, vector<1x512xf32>
      %swap3A_144 = arith.index_cast %scan3A_95 : i32 to index
      %swap3A_145 = arith.constant 0 : index
      %swap3A_146 = vector.load %arg7[%swap3A_144, %swap3A_145] : memref<80x512xf32, #tpu.memory_space<vmem>>, vector<1x512xf32>
      tpu.vector_store %arg7[%swap3A_144, %swap3A_145], %select_n3A_143 {strides = array<i32>} : memref<80x512xf32, #tpu.memory_space<vmem>>, vector<1x512xf32>,
      %slice3A_147 = vector.extract_strided_slice %sub3A_140 {offsets = [1, 0], sizes = [1, 512], strides = [1, 1]} : vector<8x512xf32> to vector<1x512xf32>
      %jit3A_148 = arith.constant 0.000000e+00 : f32
      %broadcast_in_dim3A_149 = vector.broadcast %jit3A_148 : f32 to vector<1x512xf32>
      %select_n3A_150 = arith.select %lt3A_110, %slice3A_147, %broadcast_in_dim3A_149 : vector<1x512xi1>, vector<1x512xf32>
      %swap3A_151 = arith.index_cast %scan3A_95 : i32 to index
      %swap3A_152 = arith.constant 0 : index
      %swap3A_153 = vector.load %arg8[%swap3A_151, %swap3A_152] : memref<80x512xf32, #tpu.memory_space<vmem>>, vector<1x512xf32>
      tpu.vector_store %arg8[%swap3A_151, %swap3A_152], %select_n3A_150 {strides = array<i32>} : memref<80x512xf32, #tpu.memory_space<vmem>>, vector<1x512xf32>,
      %slice3A_154 = vector.extract_strided_slice %sub3A_140 {offsets = [2, 0], sizes = [1, 512], strides = [1, 1]} : vector<8x512xf32> to vector<1x512xf32>
      %jit3A_155 = arith.constant 0.000000e+00 : f32
      %broadcast_in_dim3A_156 = vector.broadcast %jit3A_155 : f32 to vector<1x512xf32>
      %select_n3A_157 = arith.select %lt3A_110, %slice3A_154, %broadcast_in_dim3A_156 : vector<1x512xi1>, vector<1x512xf32>
      %swap3A_158 = arith.index_cast %scan3A_95 : i32 to index
      %swap3A_159 = arith.constant 0 : index
      %swap3A_160 = vector.load %arg9[%swap3A_158, %swap3A_159] : memref<80x512xf32, #tpu.memory_space<vmem>>, vector<1x512xf32>
      tpu.vector_store %arg9[%swap3A_158, %swap3A_159], %select_n3A_157 {strides = array<i32>} : memref<80x512xf32, #tpu.memory_space<vmem>>, vector<1x512xf32>,
      %broadcast_in_dim3A_161 = vector.broadcast %scan3A_89 : i32 to vector<512x512xi32>
      %select_n3A_162 = arith.select %eq3A_133, %broadcast_in_dim3A_161, %get3A_98 : vector<512x512xi1>, vector<512x512xi32>
      %swap3A_163 = arith.constant 0 : index
      %swap3A_164 = arith.constant 0 : index
      %swap3A_165 = vector.load %arg10[%swap3A_163, %swap3A_164] : memref<512x512xi32, #tpu.memory_space<vmem>>, vector<512x512xi32>
      tpu.vector_store %arg10[%swap3A_163, %swap3A_164], %select_n3A_162 {strides = array<i32>} : memref<512x512xi32, #tpu.memory_space<vmem>>, vector<512x512xi32>,
    }
    %scan3A_94 = arith.constant 80 : i32
    return
  }
}

module attributes {stable_mosaic.version = 14 : i64} {
  func.func @_node_kernel(%arg0: i32, %arg1: memref<128x64x256xf32, #tpu.memory_space<vmem>>, %arg2: memref<64x21xf32, #tpu.memory_space<vmem>>, %arg3: memref<1x1x256xf32, #tpu.memory_space<vmem>>, %arg4: memref<1x1x256xf32, #tpu.memory_space<vmem>>, %arg5: memref<256x256xf32, #tpu.memory_space<vmem>>, %arg6: memref<1x256xf32, #tpu.memory_space<vmem>>, %arg7: memref<256x256xf32, #tpu.memory_space<vmem>>, %arg8: memref<256x64xf32, #tpu.memory_space<vmem>>, %arg9: memref<21x64xf32, #tpu.memory_space<vmem>>, %arg10: memref<1x64xf32, #tpu.memory_space<vmem>>, %arg11: memref<1x64xf32, #tpu.memory_space<vmem>>, %arg12: memref<1x64xf32, #tpu.memory_space<vmem>>, %arg13: memref<64x64xf32, #tpu.memory_space<vmem>>) attributes {dimension_semantics = [#tpu.dimension_semantics<arbitrary>], iteration_bounds = array<i64: 8>, scalar_prefetch = 0 : i64, scratch_operands = 0 : i64, tpu.core_type = #tpu.core_type<tc>, window_params = [{transform_indices = @transform_0, window_bounds = array<i64: 128, 64, 256>}, {transform_indices = @transform_1, window_bounds = array<i64: 64, 21>}, {pipeline_mode = #tpu.pipeline_mode<synchronous>, transform_indices = @transform_2, window_bounds = array<i64: 1, 1, 256>}, {pipeline_mode = #tpu.pipeline_mode<synchronous>, transform_indices = @transform_3, window_bounds = array<i64: 1, 1, 256>}, {pipeline_mode = #tpu.pipeline_mode<synchronous>, transform_indices = @transform_4, window_bounds = array<i64: 256, 256>}, {pipeline_mode = #tpu.pipeline_mode<synchronous>, transform_indices = @transform_5, window_bounds = array<i64: 1, 256>}, {pipeline_mode = #tpu.pipeline_mode<synchronous>, transform_indices = @transform_6, window_bounds = array<i64: 256, 256>}, {pipeline_mode = #tpu.pipeline_mode<synchronous>, transform_indices = @transform_7, window_bounds = array<i64: 256, 64>}, {pipeline_mode = #tpu.pipeline_mode<synchronous>, transform_indices = @transform_8, window_bounds = array<i64: 21, 64>}, {pipeline_mode = #tpu.pipeline_mode<synchronous>, transform_indices = @transform_9, window_bounds = array<i64: 1, 64>}, {pipeline_mode = #tpu.pipeline_mode<synchronous>, transform_indices = @transform_10, window_bounds = array<i64: 1, 64>}, {pipeline_mode = #tpu.pipeline_mode<synchronous>, transform_indices = @transform_11, window_bounds = array<i64: 1, 64>}, {transform_indices = @transform_12, window_bounds = array<i64: 64, 64>}]} {
    %get3A = arith.constant 0 : index
    %get3A_0 = arith.constant 0 : index
    %get3A_1 = arith.constant 0 : index
    %get3A_2 = vector.load %arg1[%get3A, %get3A_0, %get3A_1] : memref<128x64x256xf32, #tpu.memory_space<vmem>>, vector<128x64x256xf32>
    %get3A_3 = arith.constant 0 : index
    %get3A_4 = arith.constant 0 : index
    %get3A_5 = arith.constant 0 : index
    %get3A_6 = vector.load %arg3[%get3A_3, %get3A_4, %get3A_5] : memref<1x1x256xf32, #tpu.memory_space<vmem>>, vector<1x1x256xf32>
    %get3A_7 = arith.constant 0 : index
    %get3A_8 = arith.constant 0 : index
    %get3A_9 = arith.constant 0 : index
    %get3A_10 = vector.load %arg4[%get3A_7, %get3A_8, %get3A_9] : memref<1x1x256xf32, #tpu.memory_space<vmem>>, vector<1x1x256xf32>
    %reduce_sum3A = arith.constant dense<0.000000e+00> : vector<128x64xf32>
    %reduce_sum3A_11 = vector.multi_reduction <add>, %get3A_2, %reduce_sum3A [2] : vector<128x64x256xf32> to vector<128x64xf32>
    %broadcast_in_dim3A = vector.shape_cast %reduce_sum3A_11 : vector<128x64xf32> to vector<128x64x1xf32>
    %div3A = arith.constant 2.560000e+02 : f32
    %div3A_12 = vector.broadcast %div3A : f32 to vector<128x64x1xf32>
    %div3A_13 = arith.divf %broadcast_in_dim3A, %div3A_12 : vector<128x64x1xf32>
    %sub3A = vector.broadcast %div3A_13 : vector<128x64x1xf32> to vector<128x64x256xf32>
    %sub3A_14 = arith.subf %get3A_2, %sub3A : vector<128x64x256xf32>
    %integer_pow3A = arith.mulf %sub3A_14, %sub3A_14 : vector<128x64x256xf32>
    %reduce_sum3A_15 = arith.constant dense<0.000000e+00> : vector<128x64xf32>
    %reduce_sum3A_16 = vector.multi_reduction <add>, %integer_pow3A, %reduce_sum3A_15 [2] : vector<128x64x256xf32> to vector<128x64xf32>
    %broadcast_in_dim3A_17 = vector.shape_cast %reduce_sum3A_16 : vector<128x64xf32> to vector<128x64x1xf32>
    %div3A_18 = arith.constant 2.560000e+02 : f32
    %div3A_19 = vector.broadcast %div3A_18 : f32 to vector<128x64x1xf32>
    %div3A_20 = arith.divf %broadcast_in_dim3A_17, %div3A_19 : vector<128x64x1xf32>
    %sub3A_21 = vector.broadcast %div3A_13 : vector<128x64x1xf32> to vector<128x64x256xf32>
    %sub3A_22 = arith.subf %get3A_2, %sub3A_21 : vector<128x64x256xf32>
    %add3A = arith.constant 9.99999974E-6 : f32
    %add3A_23 = vector.broadcast %add3A : f32 to vector<128x64x1xf32>
    %add3A_24 = arith.addf %div3A_20, %add3A_23 : vector<128x64x1xf32>
    %rsqrt3A = math.rsqrt %add3A_24 : vector<128x64x1xf32>
    %mul3A = vector.broadcast %rsqrt3A : vector<128x64x1xf32> to vector<128x64x256xf32>
    %mul3A_25 = arith.mulf %sub3A_22, %mul3A : vector<128x64x256xf32>
    %mul3A_26 = vector.broadcast %get3A_6 : vector<1x1x256xf32> to vector<128x64x256xf32>
    %mul3A_27 = arith.mulf %mul3A_25, %mul3A_26 : vector<128x64x256xf32>
    %add3A_28 = vector.broadcast %get3A_10 : vector<1x1x256xf32> to vector<128x64x256xf32>
    %add3A_29 = arith.addf %mul3A_27, %add3A_28 : vector<128x64x256xf32>
    %slice3A = vector.extract_strided_slice %add3A_29 {offsets = [0, 0, 0], sizes = [1, 64, 256], strides = [1, 1, 1]} : vector<128x64x256xf32> to vector<1x64x256xf32>
    %squeeze3A = vector.shape_cast %slice3A : vector<1x64x256xf32> to vector<64x256xf32>
    %get3A_30 = arith.constant 0 : index
    %get3A_31 = arith.constant 0 : index
    %get3A_32 = vector.load %arg5[%get3A_30, %get3A_31] : memref<256x256xf32, #tpu.memory_space<vmem>>, vector<256x256xf32>
    %dot_general3A = arith.constant dense<0.000000e+00> : vector<64x256xf32>
    %dot_general3A_33 = tpu.matmul %squeeze3A, %get3A_32, %dot_general3A {dimension_numbers = #tpu.dot_dimension_numbers<[1], [0], [0], [1], [0, 0, 1, 1], [], []>, transpose_lhs_hint = false} : vector<64x256xf32>, vector<256x256xf32>, vector<64x256xf32> -> vector<64x256xf32>
    %get3A_34 = arith.constant 0 : index
    %get3A_35 = arith.constant 0 : index
    %get3A_36 = vector.load %arg6[%get3A_34, %get3A_35] : memref<1x256xf32, #tpu.memory_space<vmem>>, vector<1x256xf32>
    %add3A_37 = vector.broadcast %get3A_36 : vector<1x256xf32> to vector<64x256xf32>
    %add3A_38 = arith.addf %dot_general3A_33, %add3A_37 : vector<64x256xf32>
    %mul3A_39 = arith.constant 6.250000e-02 : f32
    %mul3A_40 = vector.broadcast %mul3A_39 : f32 to vector<64x256xf32>
    %mul3A_41 = arith.mulf %add3A_38, %mul3A_40 : vector<64x256xf32>
    %get3A_42 = arith.constant 0 : index
    %get3A_43 = arith.constant 0 : index
    %get3A_44 = vector.load %arg7[%get3A_42, %get3A_43] : memref<256x256xf32, #tpu.memory_space<vmem>>, vector<256x256xf32>
    %dot_general3A_45 = arith.constant dense<0.000000e+00> : vector<64x256xf32>
    %dot_general3A_46 = tpu.matmul %mul3A_41, %get3A_44, %dot_general3A_45 {dimension_numbers = #tpu.dot_dimension_numbers<[1], [0], [0], [1], [0, 0, 1, 1], [], []>, transpose_lhs_hint = false} : vector<64x256xf32>, vector<256x256xf32>, vector<64x256xf32> -> vector<64x256xf32>
    %broadcast_in_dim3A_47 = vector.shape_cast %dot_general3A_46 : vector<64x256xf32> to vector<1x64x256xf32>
    %mul3A_48 = vector.broadcast %broadcast_in_dim3A_47 : vector<1x64x256xf32> to vector<128x64x256xf32>
    %mul3A_49 = arith.mulf %add3A_29, %mul3A_48 : vector<128x64x256xf32>
    %reduce_sum3A_50 = arith.constant dense<0.000000e+00> : vector<128x64xf32>
    %reduce_sum3A_51 = vector.multi_reduction <add>, %mul3A_49, %reduce_sum3A_50 [2] : vector<128x64x256xf32> to vector<128x64xf32>
    %reduce_max3A = arith.constant dense<0xFF800000> : vector<64xf32>
    %reduce_max3A_52 = vector.multi_reduction <maximumf>, %reduce_sum3A_51, %reduce_max3A [0] : vector<128x64xf32> to vector<64xf32>
    %broadcast_in_dim3A_53 = vector.shape_cast %reduce_max3A_52 : vector<64xf32> to vector<1x64xf32>
    %sub3A_54 = vector.broadcast %broadcast_in_dim3A_53 : vector<1x64xf32> to vector<128x64xf32>
    %sub3A_55 = arith.subf %reduce_sum3A_51, %sub3A_54 : vector<128x64xf32>
    %exp3A = math.exp %sub3A_55 : vector<128x64xf32>
    %reduce_sum3A_56 = arith.constant dense<0.000000e+00> : vector<64xf32>
    %reduce_sum3A_57 = vector.multi_reduction <add>, %exp3A, %reduce_sum3A_56 [0] : vector<128x64xf32> to vector<64xf32>
    %broadcast_in_dim3A_58 = vector.shape_cast %reduce_sum3A_57 : vector<64xf32> to vector<1x64xf32>
    %div3A_59 = vector.broadcast %broadcast_in_dim3A_58 : vector<1x64xf32> to vector<128x64xf32>
    %div3A_60 = arith.divf %exp3A, %div3A_59 : vector<128x64xf32>
    %broadcast_in_dim3A_61 = vector.shape_cast %div3A_60 : vector<128x64xf32> to vector<128x64x1xf32>
    %mul3A_62 = vector.broadcast %broadcast_in_dim3A_61 : vector<128x64x1xf32> to vector<128x64x256xf32>
    %mul3A_63 = arith.mulf %add3A_29, %mul3A_62 : vector<128x64x256xf32>
    %reduce_sum3A_64 = arith.constant dense<0.000000e+00> : vector<64x256xf32>
    %reduce_sum3A_65 = vector.multi_reduction <add>, %mul3A_63, %reduce_sum3A_64 [0] : vector<128x64x256xf32> to vector<64x256xf32>
    %get3A_66 = arith.constant 0 : index
    %get3A_67 = arith.constant 0 : index
    %get3A_68 = vector.load %arg8[%get3A_66, %get3A_67] : memref<256x64xf32, #tpu.memory_space<vmem>>, vector<256x64xf32>
    %dot_general3A_69 = arith.constant dense<0.000000e+00> : vector<64x64xf32>
    %dot_general3A_70 = tpu.matmul %reduce_sum3A_65, %get3A_68, %dot_general3A_69 {dimension_numbers = #tpu.dot_dimension_numbers<[1], [0], [0], [1], [0, 0, 1, 1], [], []>, transpose_lhs_hint = false} : vector<64x256xf32>, vector<256x64xf32>, vector<64x64xf32> -> vector<64x64xf32>
    %get3A_71 = arith.constant 0 : index
    %get3A_72 = arith.constant 0 : index
    %get3A_73 = vector.load %arg2[%get3A_71, %get3A_72] : memref<64x21xf32, #tpu.memory_space<vmem>>, vector<64x21xf32>
    %get3A_74 = arith.constant 0 : index
    %get3A_75 = arith.constant 0 : index
    %get3A_76 = vector.load %arg9[%get3A_74, %get3A_75] : memref<21x64xf32, #tpu.memory_space<vmem>>, vector<21x64xf32>
    %dot_general3A_77 = arith.constant dense<0.000000e+00> : vector<64x64xf32>
    %dot_general3A_78 = tpu.matmul %get3A_73, %get3A_76, %dot_general3A_77 {dimension_numbers = #tpu.dot_dimension_numbers<[1], [0], [0], [1], [0, 0, 1, 1], [], []>, transpose_lhs_hint = false} : vector<64x21xf32>, vector<21x64xf32>, vector<64x64xf32> -> vector<64x64xf32>
    %add3A_79 = arith.addf %dot_general3A_70, %dot_general3A_78 : vector<64x64xf32>
    %get3A_80 = arith.constant 0 : index
    %get3A_81 = arith.constant 0 : index
    %get3A_82 = vector.load %arg10[%get3A_80, %get3A_81] : memref<1x64xf32, #tpu.memory_space<vmem>>, vector<1x64xf32>
    %add3A_83 = vector.broadcast %get3A_82 : vector<1x64xf32> to vector<64x64xf32>
    %add3A_84 = arith.addf %add3A_79, %add3A_83 : vector<64x64xf32>
    %gt3A = arith.constant 0.000000e+00 : f32
    %gt3A_85 = vector.broadcast %gt3A : f32 to vector<64x64xf32>
    %gt3A_86 = arith.cmpf ogt, %add3A_84, %gt3A_85 : vector<64x64xf32>
    %exp3A_87 = math.exp %add3A_84 : vector<64x64xf32>
    %sub3A_88 = arith.constant 1.000000e+00 : f32
    %sub3A_89 = vector.broadcast %sub3A_88 : f32 to vector<64x64xf32>
    %sub3A_90 = arith.subf %exp3A_87, %sub3A_89 : vector<64x64xf32>
    %select_n3A = arith.select %gt3A_86, %add3A_84, %sub3A_90 : vector<64x64xi1>, vector<64x64xf32>
    %get3A_91 = arith.constant 0 : index
    %get3A_92 = arith.constant 0 : index
    %get3A_93 = vector.load %arg11[%get3A_91, %get3A_92] : memref<1x64xf32, #tpu.memory_space<vmem>>, vector<1x64xf32>
    %get3A_94 = arith.constant 0 : index
    %get3A_95 = arith.constant 0 : index
    %get3A_96 = vector.load %arg12[%get3A_94, %get3A_95] : memref<1x64xf32, #tpu.memory_space<vmem>>, vector<1x64xf32>
    %reduce_sum3A_97 = arith.constant dense<0.000000e+00> : vector<64xf32>
    %reduce_sum3A_98 = vector.multi_reduction <add>, %select_n3A, %reduce_sum3A_97 [1] : vector<64x64xf32> to vector<64xf32>
    %broadcast_in_dim3A_99 = vector.shape_cast %reduce_sum3A_98 : vector<64xf32> to vector<64x1xf32>
    %div3A_100 = arith.constant 6.400000e+01 : f32
    %div3A_101 = vector.broadcast %div3A_100 : f32 to vector<64x1xf32>
    %div3A_102 = arith.divf %broadcast_in_dim3A_99, %div3A_101 : vector<64x1xf32>
    %sub3A_103 = vector.broadcast %div3A_102 : vector<64x1xf32> to vector<64x64xf32>
    %sub3A_104 = arith.subf %select_n3A, %sub3A_103 : vector<64x64xf32>
    %integer_pow3A_105 = arith.mulf %sub3A_104, %sub3A_104 : vector<64x64xf32>
    %reduce_sum3A_106 = arith.constant dense<0.000000e+00> : vector<64xf32>
    %reduce_sum3A_107 = vector.multi_reduction <add>, %integer_pow3A_105, %reduce_sum3A_106 [1] : vector<64x64xf32> to vector<64xf32>
    %broadcast_in_dim3A_108 = vector.shape_cast %reduce_sum3A_107 : vector<64xf32> to vector<64x1xf32>
    %div3A_109 = arith.constant 6.400000e+01 : f32
    %div3A_110 = vector.broadcast %div3A_109 : f32 to vector<64x1xf32>
    %div3A_111 = arith.divf %broadcast_in_dim3A_108, %div3A_110 : vector<64x1xf32>
    %sub3A_112 = vector.broadcast %div3A_102 : vector<64x1xf32> to vector<64x64xf32>
    %sub3A_113 = arith.subf %select_n3A, %sub3A_112 : vector<64x64xf32>
    %add3A_114 = arith.constant 9.99999974E-6 : f32
    %add3A_115 = vector.broadcast %add3A_114 : f32 to vector<64x1xf32>
    %add3A_116 = arith.addf %div3A_111, %add3A_115 : vector<64x1xf32>
    %rsqrt3A_117 = math.rsqrt %add3A_116 : vector<64x1xf32>
    %mul3A_118 = vector.broadcast %rsqrt3A_117 : vector<64x1xf32> to vector<64x64xf32>
    %mul3A_119 = arith.mulf %sub3A_113, %mul3A_118 : vector<64x64xf32>
    %mul3A_120 = vector.broadcast %get3A_93 : vector<1x64xf32> to vector<64x64xf32>
    %mul3A_121 = arith.mulf %mul3A_119, %mul3A_120 : vector<64x64xf32>
    %add3A_122 = vector.broadcast %get3A_96 : vector<1x64xf32> to vector<64x64xf32>
    %add3A_123 = arith.addf %mul3A_121, %add3A_122 : vector<64x64xf32>
    %swap3A = arith.constant 0 : index
    %swap3A_124 = arith.constant 0 : index
    %swap3A_125 = vector.load %arg13[%swap3A, %swap3A_124] : memref<64x64xf32, #tpu.memory_space<vmem>>, vector<64x64xf32>
    tpu.vector_store %arg13[%swap3A, %swap3A_124], %add3A_123 {strides = array<i32>} : memref<64x64xf32, #tpu.memory_space<vmem>>, vector<64x64xf32>,
    return
  }
  func.func @transform_0(%arg0: i32) -> (i32, i32, i32) {
    %c0_i32 = arith.constant 0 : i32
    %c0_i32_0 = arith.constant 0 : i32
    %c0_i32_1 = arith.constant 0 : i32
    return %c0_i32, %arg0, %c0_i32_0 : i32, i32, i32
  }
  func.func @transform_1(%arg0: i32) -> (i32, i32) {
    %c0_i32 = arith.constant 0 : i32
    %c0_i32_0 = arith.constant 0 : i32
    return %arg0, %c0_i32 : i32, i32
  }
  func.func @transform_2(%arg0: i32) -> (i32, i32, i32) {
    %c0_i32 = arith.constant 0 : i32
    %c0_i32_0 = arith.constant 0 : i32
    %c0_i32_1 = arith.constant 0 : i32
    %c0_i32_2 = arith.constant 0 : i32
    return %c0_i32, %c0_i32_0, %c0_i32_1 : i32, i32, i32
  }
  func.func @transform_3(%arg0: i32) -> (i32, i32, i32) {
    %c0_i32 = arith.constant 0 : i32
    %c0_i32_0 = arith.constant 0 : i32
    %c0_i32_1 = arith.constant 0 : i32
    %c0_i32_2 = arith.constant 0 : i32
    return %c0_i32, %c0_i32_0, %c0_i32_1 : i32, i32, i32
  }
  func.func @transform_4(%arg0: i32) -> (i32, i32) {
    %c0_i32 = arith.constant 0 : i32
    %c0_i32_0 = arith.constant 0 : i32
    %c0_i32_1 = arith.constant 0 : i32
    return %c0_i32, %c0_i32_0 : i32, i32
  }
  func.func @transform_5(%arg0: i32) -> (i32, i32) {
    %c0_i32 = arith.constant 0 : i32
    %c0_i32_0 = arith.constant 0 : i32
    %c0_i32_1 = arith.constant 0 : i32
    return %c0_i32, %c0_i32_0 : i32, i32
  }
  func.func @transform_6(%arg0: i32) -> (i32, i32) {
    %c0_i32 = arith.constant 0 : i32
    %c0_i32_0 = arith.constant 0 : i32
    %c0_i32_1 = arith.constant 0 : i32
    return %c0_i32, %c0_i32_0 : i32, i32
  }
  func.func @transform_7(%arg0: i32) -> (i32, i32) {
    %c0_i32 = arith.constant 0 : i32
    %c0_i32_0 = arith.constant 0 : i32
    %c0_i32_1 = arith.constant 0 : i32
    return %c0_i32, %c0_i32_0 : i32, i32
  }
  func.func @transform_8(%arg0: i32) -> (i32, i32) {
    %c0_i32 = arith.constant 0 : i32
    %c0_i32_0 = arith.constant 0 : i32
    %c0_i32_1 = arith.constant 0 : i32
    return %c0_i32, %c0_i32_0 : i32, i32
  }
  func.func @transform_9(%arg0: i32) -> (i32, i32) {
    %c0_i32 = arith.constant 0 : i32
    %c0_i32_0 = arith.constant 0 : i32
    %c0_i32_1 = arith.constant 0 : i32
    return %c0_i32, %c0_i32_0 : i32, i32
  }
  func.func @transform_10(%arg0: i32) -> (i32, i32) {
    %c0_i32 = arith.constant 0 : i32
    %c0_i32_0 = arith.constant 0 : i32
    %c0_i32_1 = arith.constant 0 : i32
    return %c0_i32, %c0_i32_0 : i32, i32
  }
  func.func @transform_11(%arg0: i32) -> (i32, i32) {
    %c0_i32 = arith.constant 0 : i32
    %c0_i32_0 = arith.constant 0 : i32
    %c0_i32_1 = arith.constant 0 : i32
    return %c0_i32, %c0_i32_0 : i32, i32
  }
  func.func @transform_12(%arg0: i32) -> (i32, i32) {
    %c0_i32 = arith.constant 0 : i32
    %c0_i32_0 = arith.constant 0 : i32
    return %arg0, %c0_i32 : i32, i32
  }
}

module attributes {stable_mosaic.version = 14 : i64} {
  func.func @_edge_kernel(%arg0: i32, %arg1: memref<2560x128xf32, #tpu.memory_space<vmem>>, %arg2: memref<2560x8xf32, #tpu.memory_space<vmem>>, %arg3: memref<32x64xf32, #tpu.memory_space<vmem>>, %arg4: memref<1x128xf32, #tpu.memory_space<vmem>>, %arg5: memref<1x128xf32, #tpu.memory_space<vmem>>, %arg6: memref<128x64xf32, #tpu.memory_space<vmem>>, %arg7: memref<1x64xf32, #tpu.memory_space<vmem>>, %arg8: memref<1x64xf32, #tpu.memory_space<vmem>>, %arg9: memref<1x64xf32, #tpu.memory_space<vmem>>, %arg10: memref<64x35xf32, #tpu.memory_space<vmem>>, %arg11: memref<64x35xf32, #tpu.memory_space<vmem>>, %arg12: memref<1x35xf32, #tpu.memory_space<vmem>>, %arg13: memref<1x35xf32, #tpu.memory_space<vmem>>, %arg14: memref<2560x128xf32, #tpu.memory_space<vmem>>) attributes {dimension_semantics = [#tpu.dimension_semantics<arbitrary>], iteration_bounds = array<i64: 16>, scalar_prefetch = 0 : i64, scratch_operands = 0 : i64, tpu.core_type = #tpu.core_type<tc>, window_params = [{transform_indices = @transform_0, window_bounds = array<i64: 2560, 128>}, {transform_indices = @transform_1, window_bounds = array<i64: 2560, 8>}, {transform_indices = @transform_2, window_bounds = array<i64: 32, 64>}, {pipeline_mode = #tpu.pipeline_mode<synchronous>, transform_indices = @transform_3, window_bounds = array<i64: 1, 128>}, {pipeline_mode = #tpu.pipeline_mode<synchronous>, transform_indices = @transform_4, window_bounds = array<i64: 1, 128>}, {pipeline_mode = #tpu.pipeline_mode<synchronous>, transform_indices = @transform_5, window_bounds = array<i64: 128, 64>}, {pipeline_mode = #tpu.pipeline_mode<synchronous>, transform_indices = @transform_6, window_bounds = array<i64: 1, 64>}, {pipeline_mode = #tpu.pipeline_mode<synchronous>, transform_indices = @transform_7, window_bounds = array<i64: 1, 64>}, {pipeline_mode = #tpu.pipeline_mode<synchronous>, transform_indices = @transform_8, window_bounds = array<i64: 1, 64>}, {pipeline_mode = #tpu.pipeline_mode<synchronous>, transform_indices = @transform_9, window_bounds = array<i64: 64, 35>}, {pipeline_mode = #tpu.pipeline_mode<synchronous>, transform_indices = @transform_10, window_bounds = array<i64: 64, 35>}, {pipeline_mode = #tpu.pipeline_mode<synchronous>, transform_indices = @transform_11, window_bounds = array<i64: 1, 35>}, {pipeline_mode = #tpu.pipeline_mode<synchronous>, transform_indices = @transform_12, window_bounds = array<i64: 1, 35>}, {transform_indices = @transform_13, window_bounds = array<i64: 2560, 128>}]} {
    %get3A = arith.constant 0 : index
    %get3A_0 = arith.constant 0 : index
    %get3A_1 = vector.load %arg1[%get3A, %get3A_0] : memref<2560x128xf32, #tpu.memory_space<vmem>>, vector<2560x128xf32>
    %get3A_2 = arith.constant 0 : index
    %get3A_3 = arith.constant 0 : index
    %get3A_4 = vector.load %arg4[%get3A_2, %get3A_3] : memref<1x128xf32, #tpu.memory_space<vmem>>, vector<1x128xf32>
    %get3A_5 = arith.constant 0 : index
    %get3A_6 = arith.constant 0 : index
    %get3A_7 = vector.load %arg5[%get3A_5, %get3A_6] : memref<1x128xf32, #tpu.memory_space<vmem>>, vector<1x128xf32>
    %reduce_sum3A = arith.constant dense<0.000000e+00> : vector<2560xf32>
    %reduce_sum3A_8 = vector.multi_reduction <add>, %get3A_1, %reduce_sum3A [1] : vector<2560x128xf32> to vector<2560xf32>
    %broadcast_in_dim3A = vector.shape_cast %reduce_sum3A_8 : vector<2560xf32> to vector<2560x1xf32>
    %div3A = arith.constant 1.280000e+02 : f32
    %div3A_9 = vector.broadcast %div3A : f32 to vector<2560x1xf32>
    %div3A_10 = arith.divf %broadcast_in_dim3A, %div3A_9 : vector<2560x1xf32>
    %sub3A = vector.broadcast %div3A_10 : vector<2560x1xf32> to vector<2560x128xf32>
    %sub3A_11 = arith.subf %get3A_1, %sub3A : vector<2560x128xf32>
    %integer_pow3A = arith.mulf %sub3A_11, %sub3A_11 : vector<2560x128xf32>
    %reduce_sum3A_12 = arith.constant dense<0.000000e+00> : vector<2560xf32>
    %reduce_sum3A_13 = vector.multi_reduction <add>, %integer_pow3A, %reduce_sum3A_12 [1] : vector<2560x128xf32> to vector<2560xf32>
    %broadcast_in_dim3A_14 = vector.shape_cast %reduce_sum3A_13 : vector<2560xf32> to vector<2560x1xf32>
    %div3A_15 = arith.constant 1.280000e+02 : f32
    %div3A_16 = vector.broadcast %div3A_15 : f32 to vector<2560x1xf32>
    %div3A_17 = arith.divf %broadcast_in_dim3A_14, %div3A_16 : vector<2560x1xf32>
    %sub3A_18 = vector.broadcast %div3A_10 : vector<2560x1xf32> to vector<2560x128xf32>
    %sub3A_19 = arith.subf %get3A_1, %sub3A_18 : vector<2560x128xf32>
    %add3A = arith.constant 9.99999974E-6 : f32
    %add3A_20 = vector.broadcast %add3A : f32 to vector<2560x1xf32>
    %add3A_21 = arith.addf %div3A_17, %add3A_20 : vector<2560x1xf32>
    %rsqrt3A = math.rsqrt %add3A_21 : vector<2560x1xf32>
    %mul3A = vector.broadcast %rsqrt3A : vector<2560x1xf32> to vector<2560x128xf32>
    %mul3A_22 = arith.mulf %sub3A_19, %mul3A : vector<2560x128xf32>
    %mul3A_23 = vector.broadcast %get3A_4 : vector<1x128xf32> to vector<2560x128xf32>
    %mul3A_24 = arith.mulf %mul3A_22, %mul3A_23 : vector<2560x128xf32>
    %add3A_25 = vector.broadcast %get3A_7 : vector<1x128xf32> to vector<2560x128xf32>
    %add3A_26 = arith.addf %mul3A_24, %add3A_25 : vector<2560x128xf32>
    %get3A_27 = arith.constant 0 : index
    %get3A_28 = arith.constant 0 : index
    %get3A_29 = vector.load %arg6[%get3A_27, %get3A_28] : memref<128x64xf32, #tpu.memory_space<vmem>>, vector<128x64xf32>
    %dot_general3A = arith.constant dense<0.000000e+00> : vector<2560x64xf32>
    %dot_general3A_30 = tpu.matmul %add3A_26, %get3A_29, %dot_general3A {dimension_numbers = #tpu.dot_dimension_numbers<[1], [0], [0], [1], [0, 0, 1, 1], [], []>, transpose_lhs_hint = false} : vector<2560x128xf32>, vector<128x64xf32>, vector<2560x64xf32> -> vector<2560x64xf32>
    %get3A_31 = arith.constant 0 : index
    %get3A_32 = arith.constant 0 : index
    %get3A_33 = vector.load %arg7[%get3A_31, %get3A_32] : memref<1x64xf32, #tpu.memory_space<vmem>>, vector<1x64xf32>
    %add3A_34 = vector.broadcast %get3A_33 : vector<1x64xf32> to vector<2560x64xf32>
    %add3A_35 = arith.addf %dot_general3A_30, %add3A_34 : vector<2560x64xf32>
    %gt3A = arith.constant 0.000000e+00 : f32
    %gt3A_36 = vector.broadcast %gt3A : f32 to vector<2560x64xf32>
    %gt3A_37 = arith.cmpf ogt, %add3A_35, %gt3A_36 : vector<2560x64xf32>
    %exp3A = math.exp %add3A_35 : vector<2560x64xf32>
    %sub3A_38 = arith.constant 1.000000e+00 : f32
    %sub3A_39 = vector.broadcast %sub3A_38 : f32 to vector<2560x64xf32>
    %sub3A_40 = arith.subf %exp3A, %sub3A_39 : vector<2560x64xf32>
    %select_n3A = arith.select %gt3A_37, %add3A_35, %sub3A_40 : vector<2560x64xi1>, vector<2560x64xf32>
    %get3A_41 = arith.constant 0 : index
    %get3A_42 = arith.constant 0 : index
    %get3A_43 = vector.load %arg8[%get3A_41, %get3A_42] : memref<1x64xf32, #tpu.memory_space<vmem>>, vector<1x64xf32>
    %get3A_44 = arith.constant 0 : index
    %get3A_45 = arith.constant 0 : index
    %get3A_46 = vector.load %arg9[%get3A_44, %get3A_45] : memref<1x64xf32, #tpu.memory_space<vmem>>, vector<1x64xf32>
    %reduce_sum3A_47 = arith.constant dense<0.000000e+00> : vector<2560xf32>
    %reduce_sum3A_48 = vector.multi_reduction <add>, %select_n3A, %reduce_sum3A_47 [1] : vector<2560x64xf32> to vector<2560xf32>
    %broadcast_in_dim3A_49 = vector.shape_cast %reduce_sum3A_48 : vector<2560xf32> to vector<2560x1xf32>
    %div3A_50 = arith.constant 6.400000e+01 : f32
    %div3A_51 = vector.broadcast %div3A_50 : f32 to vector<2560x1xf32>
    %div3A_52 = arith.divf %broadcast_in_dim3A_49, %div3A_51 : vector<2560x1xf32>
    %sub3A_53 = vector.broadcast %div3A_52 : vector<2560x1xf32> to vector<2560x64xf32>
    %sub3A_54 = arith.subf %select_n3A, %sub3A_53 : vector<2560x64xf32>
    %integer_pow3A_55 = arith.mulf %sub3A_54, %sub3A_54 : vector<2560x64xf32>
    %reduce_sum3A_56 = arith.constant dense<0.000000e+00> : vector<2560xf32>
    %reduce_sum3A_57 = vector.multi_reduction <add>, %integer_pow3A_55, %reduce_sum3A_56 [1] : vector<2560x64xf32> to vector<2560xf32>
    %broadcast_in_dim3A_58 = vector.shape_cast %reduce_sum3A_57 : vector<2560xf32> to vector<2560x1xf32>
    %div3A_59 = arith.constant 6.400000e+01 : f32
    %div3A_60 = vector.broadcast %div3A_59 : f32 to vector<2560x1xf32>
    %div3A_61 = arith.divf %broadcast_in_dim3A_58, %div3A_60 : vector<2560x1xf32>
    %sub3A_62 = vector.broadcast %div3A_52 : vector<2560x1xf32> to vector<2560x64xf32>
    %sub3A_63 = arith.subf %select_n3A, %sub3A_62 : vector<2560x64xf32>
    %add3A_64 = arith.constant 9.99999974E-6 : f32
    %add3A_65 = vector.broadcast %add3A_64 : f32 to vector<2560x1xf32>
    %add3A_66 = arith.addf %div3A_61, %add3A_65 : vector<2560x1xf32>
    %rsqrt3A_67 = math.rsqrt %add3A_66 : vector<2560x1xf32>
    %mul3A_68 = vector.broadcast %rsqrt3A_67 : vector<2560x1xf32> to vector<2560x64xf32>
    %mul3A_69 = arith.mulf %sub3A_63, %mul3A_68 : vector<2560x64xf32>
    %mul3A_70 = vector.broadcast %get3A_43 : vector<1x64xf32> to vector<2560x64xf32>
    %mul3A_71 = arith.mulf %mul3A_69, %mul3A_70 : vector<2560x64xf32>
    %add3A_72 = vector.broadcast %get3A_46 : vector<1x64xf32> to vector<2560x64xf32>
    %add3A_73 = arith.addf %mul3A_71, %add3A_72 : vector<2560x64xf32>
    %iota3A = tpu.iota {dimensions = array<i32: 0>} : vector<2560x32xi32>
    %jit3A = arith.constant 80 : i32
    %div3A_74 = vector.broadcast %jit3A : i32 to vector<2560x32xi32>
    %div3A_75 = arith.divsi %iota3A, %div3A_74 : vector<2560x32xi32>
    %sign3A = arith.constant 0 : i32
    %sign3A_76 = vector.broadcast %sign3A : i32 to vector<2560x32xi32>
    %sign3A_77 = arith.cmpi sgt, %iota3A, %sign3A_76 : vector<2560x32xi32>
    %sign3A_78 = arith.extui %sign3A_77 : vector<2560x32xi1> to vector<2560x32xi32>
    %sign3A_79 = arith.constant 0 : i32
    %sign3A_80 = vector.broadcast %sign3A_79 : i32 to vector<2560x32xi32>
    %sign3A_81 = arith.cmpi slt, %iota3A, %sign3A_80 : vector<2560x32xi32>
    %sign3A_82 = arith.extui %sign3A_81 : vector<2560x32xi1> to vector<2560x32xi32>
    %sign3A_83 = arith.subi %sign3A_78, %sign3A_82 : vector<2560x32xi32>
    %sign3A_84 = arith.constant 0 : i32
    %sign3A_85 = arith.cmpi sgt, %jit3A, %sign3A_84 : i32
    %sign3A_86 = arith.extui %sign3A_85 : i1 to i32
    %sign3A_87 = arith.constant 0 : i32
    %sign3A_88 = arith.cmpi slt, %jit3A, %sign3A_87 : i32
    %sign3A_89 = arith.extui %sign3A_88 : i1 to i32
    %sign3A_90 = arith.subi %sign3A_86, %sign3A_89 : i32
    %ne3A = vector.broadcast %sign3A_90 : i32 to vector<2560x32xi32>
    %ne3A_91 = arith.cmpi ne, %sign3A_83, %ne3A : vector<2560x32xi32>
    %rem3A = vector.broadcast %jit3A : i32 to vector<2560x32xi32>
    %rem3A_92 = arith.remsi %iota3A, %rem3A : vector<2560x32xi32>
    %ne3A_93 = arith.constant 0 : i32
    %ne3A_94 = vector.broadcast %ne3A_93 : i32 to vector<2560x32xi32>
    %ne3A_95 = arith.cmpi ne, %rem3A_92, %ne3A_94 : vector<2560x32xi32>
    %and3A = arith.andi %ne3A_91, %ne3A_95 : vector<2560x32xi1>
    %sub3A_96 = arith.constant 1 : i32
    %sub3A_97 = vector.broadcast %sub3A_96 : i32 to vector<2560x32xi32>
    %sub3A_98 = arith.subi %div3A_75, %sub3A_97 : vector<2560x32xi32>
    %select_n3A_99 = arith.select %and3A, %sub3A_98, %div3A_75 : vector<2560x32xi1>, vector<2560x32xi32>
    %iota3A_100 = tpu.iota {dimensions = array<i32: 1>} : vector<2560x32xi32>
    %eq3A = arith.cmpi eq, %select_n3A_99, %iota3A_100 : vector<2560x32xi32>
    %convert_element_type3A = arith.extui %eq3A : vector<2560x32xi1> to vector<2560x32xi32>
    %convert_element_type3A_101 = arith.sitofp %convert_element_type3A : vector<2560x32xi32> to vector<2560x32xf32>
    %get3A_102 = arith.constant 0 : index
    %get3A_103 = arith.constant 0 : index
    %get3A_104 = vector.load %arg3[%get3A_102, %get3A_103] : memref<32x64xf32, #tpu.memory_space<vmem>>, vector<32x64xf32>
    %get3A_105 = arith.constant 0 : index
    %get3A_106 = arith.constant 0 : index
    %get3A_107 = vector.load %arg10[%get3A_105, %get3A_106] : memref<64x35xf32, #tpu.memory_space<vmem>>, vector<64x35xf32>
    %dot_general3A_108 = arith.constant dense<0.000000e+00> : vector<32x35xf32>
    %dot_general3A_109 = tpu.matmul %get3A_104, %get3A_107, %dot_general3A_108 {dimension_numbers = #tpu.dot_dimension_numbers<[1], [0], [0], [1], [0, 0, 1, 1], [], []>, transpose_lhs_hint = false} : vector<32x64xf32>, vector<64x35xf32>, vector<32x35xf32> -> vector<32x35xf32>
    %get3A_110 = arith.constant 0 : index
    %get3A_111 = arith.constant 0 : index
    %get3A_112 = vector.load %arg2[%get3A_110, %get3A_111] : memref<2560x8xf32, #tpu.memory_space<vmem>>, vector<2560x8xf32>
    %slice3A = vector.extract_strided_slice %get3A_112 {offsets = [0, 3], sizes = [2560, 1], strides = [1, 1]} : vector<2560x8xf32> to vector<2560x1xf32>
    %get3A_113 = arith.constant 0 : index
    %get3A_114 = arith.constant 0 : index
    %get3A_115 = vector.load %arg11[%get3A_113, %get3A_114] : memref<64x35xf32, #tpu.memory_space<vmem>>, vector<64x35xf32>
    %dot_general3A_116 = arith.constant dense<0.000000e+00> : vector<2560x35xf32>
    %dot_general3A_117 = tpu.matmul %add3A_73, %get3A_115, %dot_general3A_116 {dimension_numbers = #tpu.dot_dimension_numbers<[1], [0], [0], [1], [0, 0, 1, 1], [], []>, transpose_lhs_hint = false} : vector<2560x64xf32>, vector<64x35xf32>, vector<2560x35xf32> -> vector<2560x35xf32>
    %dot_general3A_118 = arith.constant dense<0.000000e+00> : vector<2560x35xf32>
    %dot_general3A_119 = tpu.matmul %convert_element_type3A_101, %dot_general3A_109, %dot_general3A_118 {dimension_numbers = #tpu.dot_dimension_numbers<[1], [0], [0], [1], [0, 0, 1, 1], [], []>, transpose_lhs_hint = false} : vector<2560x32xf32>, vector<32x35xf32>, vector<2560x35xf32> -> vector<2560x35xf32>
    %add3A_120 = arith.addf %dot_general3A_117, %dot_general3A_119 : vector<2560x35xf32>
    %get3A_121 = arith.constant 0 : index
    %get3A_122 = arith.constant 0 : index
    %get3A_123 = vector.load %arg12[%get3A_121, %get3A_122] : memref<1x35xf32, #tpu.memory_space<vmem>>, vector<1x35xf32>
    %mul3A_124 = vector.broadcast %slice3A : vector<2560x1xf32> to vector<2560x35xf32>
    %mul3A_125 = vector.broadcast %get3A_123 : vector<1x35xf32> to vector<2560x35xf32>
    %mul3A_126 = arith.mulf %mul3A_124, %mul3A_125 : vector<2560x35xf32>
    %add3A_127 = arith.addf %add3A_120, %mul3A_126 : vector<2560x35xf32>
    %get3A_128 = arith.constant 0 : index
    %get3A_129 = arith.constant 0 : index
    %get3A_130 = vector.load %arg13[%get3A_128, %get3A_129] : memref<1x35xf32, #tpu.memory_space<vmem>>, vector<1x35xf32>
    %add3A_131 = vector.broadcast %get3A_130 : vector<1x35xf32> to vector<2560x35xf32>
    %add3A_132 = arith.addf %add3A_127, %add3A_131 : vector<2560x35xf32>
    %slice3A_133 = vector.extract_strided_slice %add3A_132 {offsets = [0, 0], sizes = [2560, 32], strides = [1, 1]} : vector<2560x35xf32> to vector<2560x32xf32>
    %gt3A_134 = arith.constant 0.000000e+00 : f32
    %gt3A_135 = vector.broadcast %gt3A_134 : f32 to vector<2560x32xf32>
    %gt3A_136 = arith.cmpf ogt, %slice3A_133, %gt3A_135 : vector<2560x32xf32>
    %exp3A_137 = math.exp %slice3A_133 : vector<2560x32xf32>
    %sub3A_138 = arith.constant 1.000000e+00 : f32
    %sub3A_139 = vector.broadcast %sub3A_138 : f32 to vector<2560x32xf32>
    %sub3A_140 = arith.subf %exp3A_137, %sub3A_139 : vector<2560x32xf32>
    %select_n3A_141 = arith.select %gt3A_136, %slice3A_133, %sub3A_140 : vector<2560x32xi1>, vector<2560x32xf32>
    %slice3A_142 = vector.extract_strided_slice %add3A_132 {offsets = [0, 32], sizes = [2560, 3], strides = [1, 1]} : vector<2560x35xf32> to vector<2560x3xf32>
    %slice3A_143 = vector.extract_strided_slice %get3A_112 {offsets = [0, 0], sizes = [2560, 1], strides = [1, 1]} : vector<2560x8xf32> to vector<2560x1xf32>
    %mul3A_144 = vector.broadcast %slice3A_143 : vector<2560x1xf32> to vector<2560x3xf32>
    %mul3A_145 = arith.mulf %slice3A_142, %mul3A_144 : vector<2560x3xf32>
    %slice3A_146 = vector.extract_strided_slice %get3A_112 {offsets = [0, 1], sizes = [2560, 1], strides = [1, 1]} : vector<2560x8xf32> to vector<2560x1xf32>
    %mul3A_147 = vector.broadcast %slice3A_146 : vector<2560x1xf32> to vector<2560x3xf32>
    %mul3A_148 = arith.mulf %slice3A_142, %mul3A_147 : vector<2560x3xf32>
    %slice3A_149 = vector.extract_strided_slice %get3A_112 {offsets = [0, 2], sizes = [2560, 1], strides = [1, 1]} : vector<2560x8xf32> to vector<2560x1xf32>
    %mul3A_150 = vector.broadcast %slice3A_149 : vector<2560x1xf32> to vector<2560x3xf32>
    %mul3A_151 = arith.mulf %slice3A_142, %mul3A_150 : vector<2560x3xf32>
    %concatenate3A = tpu.concatenate %mul3A_145, %mul3A_148, %mul3A_151 in 1 : vector<2560x3xf32>, vector<2560x3xf32>, vector<2560x3xf32> -> vector<2560x9xf32>
    %swap3A = arith.constant 0 : index
    %swap3A_152 = arith.constant 0 : index
    %swap3A_153 = vector.load %arg14[%swap3A, %swap3A_152] : memref<2560x128xf32, #tpu.memory_space<vmem>>, vector<2560x32xf32>
    tpu.vector_store %arg14[%swap3A, %swap3A_152], %select_n3A_141 {strides = array<i32>} : memref<2560x128xf32, #tpu.memory_space<vmem>>, vector<2560x32xf32>,
    %swap3A_154 = arith.constant 0 : index
    %swap3A_155 = arith.constant 32 : index
    %swap3A_156 = vector.load %arg14[%swap3A_154, %swap3A_155] : memref<2560x128xf32, #tpu.memory_space<vmem>>, vector<2560x9xf32>
    tpu.vector_store %arg14[%swap3A_154, %swap3A_155], %concatenate3A {strides = array<i32>} : memref<2560x128xf32, #tpu.memory_space<vmem>>, vector<2560x9xf32>,
    return
  }
  func.func @transform_0(%arg0: i32) -> (i32, i32) {
    %c0_i32 = arith.constant 0 : i32
    %c0_i32_0 = arith.constant 0 : i32
    return %arg0, %c0_i32 : i32, i32
  }
  func.func @transform_1(%arg0: i32) -> (i32, i32) {
    %c0_i32 = arith.constant 0 : i32
    %c0_i32_0 = arith.constant 0 : i32
    return %arg0, %c0_i32 : i32, i32
  }
  func.func @transform_2(%arg0: i32) -> (i32, i32) {
    %c0_i32 = arith.constant 0 : i32
    %c0_i32_0 = arith.constant 0 : i32
    return %arg0, %c0_i32 : i32, i32
  }
  func.func @transform_3(%arg0: i32) -> (i32, i32) {
    %c0_i32 = arith.constant 0 : i32
    %c0_i32_0 = arith.constant 0 : i32
    %c0_i32_1 = arith.constant 0 : i32
    return %c0_i32, %c0_i32_0 : i32, i32
  }
  func.func @transform_4(%arg0: i32) -> (i32, i32) {
    %c0_i32 = arith.constant 0 : i32
    %c0_i32_0 = arith.constant 0 : i32
    %c0_i32_1 = arith.constant 0 : i32
    return %c0_i32, %c0_i32_0 : i32, i32
  }
  func.func @transform_5(%arg0: i32) -> (i32, i32) {
    %c0_i32 = arith.constant 0 : i32
    %c0_i32_0 = arith.constant 0 : i32
    %c0_i32_1 = arith.constant 0 : i32
    return %c0_i32, %c0_i32_0 : i32, i32
  }
  func.func @transform_6(%arg0: i32) -> (i32, i32) {
    %c0_i32 = arith.constant 0 : i32
    %c0_i32_0 = arith.constant 0 : i32
    %c0_i32_1 = arith.constant 0 : i32
    return %c0_i32, %c0_i32_0 : i32, i32
  }
  func.func @transform_7(%arg0: i32) -> (i32, i32) {
    %c0_i32 = arith.constant 0 : i32
    %c0_i32_0 = arith.constant 0 : i32
    %c0_i32_1 = arith.constant 0 : i32
    return %c0_i32, %c0_i32_0 : i32, i32
  }
  func.func @transform_8(%arg0: i32) -> (i32, i32) {
    %c0_i32 = arith.constant 0 : i32
    %c0_i32_0 = arith.constant 0 : i32
    %c0_i32_1 = arith.constant 0 : i32
    return %c0_i32, %c0_i32_0 : i32, i32
  }
  func.func @transform_9(%arg0: i32) -> (i32, i32) {
    %c0_i32 = arith.constant 0 : i32
    %c0_i32_0 = arith.constant 0 : i32
    %c0_i32_1 = arith.constant 0 : i32
    return %c0_i32, %c0_i32_0 : i32, i32
  }
  func.func @transform_10(%arg0: i32) -> (i32, i32) {
    %c0_i32 = arith.constant 0 : i32
    %c0_i32_0 = arith.constant 0 : i32
    %c0_i32_1 = arith.constant 0 : i32
    return %c0_i32, %c0_i32_0 : i32, i32
  }
  func.func @transform_11(%arg0: i32) -> (i32, i32) {
    %c0_i32 = arith.constant 0 : i32
    %c0_i32_0 = arith.constant 0 : i32
    %c0_i32_1 = arith.constant 0 : i32
    return %c0_i32, %c0_i32_0 : i32, i32
  }
  func.func @transform_12(%arg0: i32) -> (i32, i32) {
    %c0_i32 = arith.constant 0 : i32
    %c0_i32_0 = arith.constant 0 : i32
    %c0_i32_1 = arith.constant 0 : i32
    return %c0_i32, %c0_i32_0 : i32, i32
  }
  func.func @transform_13(%arg0: i32) -> (i32, i32) {
    %c0_i32 = arith.constant 0 : i32
    %c0_i32_0 = arith.constant 0 : i32
    return %arg0, %c0_i32 : i32, i32
  }
}

module attributes {stable_mosaic.version = 14 : i64} {
  func.func @_final_kernel(%arg0: memref<2x512x128xf32, #tpu.memory_space<vmem>>, %arg1: memref<512x64xf32, #tpu.memory_space<vmem>>, %arg2: memref<512x9xf32, #tpu.memory_space<vmem>>, %arg3: memref<64x32xf32, #tpu.memory_space<vmem>>, %arg4: memref<1x32xf32, #tpu.memory_space<vmem>>, %arg5: memref<1x32xf32, #tpu.memory_space<vmem>>, %arg6: memref<512x32xf32, #tpu.memory_space<vmem>>, %arg7: memref<512x9xf32, #tpu.memory_space<vmem>>) attributes {dimension_semantics = [], scalar_prefetch = 0 : i64, scratch_operands = 0 : i64, tpu.core_type = #tpu.core_type<tc>} {
    %get3A = arith.constant 0 : index
    %get3A_0 = arith.constant 0 : index
    %get3A_1 = arith.constant 0 : index
    %get3A_2 = vector.load %arg0[%get3A, %get3A_0, %get3A_1] : memref<2x512x128xf32, #tpu.memory_space<vmem>>, vector<2x512x128xf32>
    %slice3A = vector.extract_strided_slice %get3A_2 {offsets = [0, 0, 0], sizes = [1, 512, 128], strides = [1, 1, 1]} : vector<2x512x128xf32> to vector<1x512x128xf32>
    %squeeze3A = vector.shape_cast %slice3A : vector<1x512x128xf32> to vector<512x128xf32>
    %get3A_3 = arith.constant 0 : index
    %get3A_4 = arith.constant 0 : index
    %get3A_5 = arith.constant 0 : index
    %get3A_6 = vector.load %arg0[%get3A_3, %get3A_4, %get3A_5] : memref<2x512x128xf32, #tpu.memory_space<vmem>>, vector<2x512x128xf32>
    %slice3A_7 = vector.extract_strided_slice %get3A_6 {offsets = [1, 0, 0], sizes = [1, 512, 128], strides = [1, 1, 1]} : vector<2x512x128xf32> to vector<1x512x128xf32>
    %squeeze3A_8 = vector.shape_cast %slice3A_7 : vector<1x512x128xf32> to vector<512x128xf32>
    %add3A = arith.addf %squeeze3A, %squeeze3A_8 : vector<512x128xf32>
    %slice3A_9 = vector.extract_strided_slice %add3A {offsets = [0, 0], sizes = [512, 32], strides = [1, 1]} : vector<512x128xf32> to vector<512x32xf32>
    %get3A_10 = arith.constant 0 : index
    %get3A_11 = arith.constant 0 : index
    %get3A_12 = vector.load %arg1[%get3A_10, %get3A_11] : memref<512x64xf32, #tpu.memory_space<vmem>>, vector<512x64xf32>
    %get3A_13 = arith.constant 0 : index
    %get3A_14 = arith.constant 0 : index
    %get3A_15 = vector.load %arg3[%get3A_13, %get3A_14] : memref<64x32xf32, #tpu.memory_space<vmem>>, vector<64x32xf32>
    %dot_general3A = arith.constant dense<0.000000e+00> : vector<512x32xf32>
    %dot_general3A_16 = tpu.matmul %get3A_12, %get3A_15, %dot_general3A {dimension_numbers = #tpu.dot_dimension_numbers<[1], [0], [0], [1], [0, 0, 1, 1], [], []>, transpose_lhs_hint = false} : vector<512x64xf32>, vector<64x32xf32>, vector<512x32xf32> -> vector<512x32xf32>
    %add3A_17 = arith.addf %slice3A_9, %dot_general3A_16 : vector<512x32xf32>
    %gt3A = arith.constant 0.000000e+00 : f32
    %gt3A_18 = vector.broadcast %gt3A : f32 to vector<512x32xf32>
    %gt3A_19 = arith.cmpf ogt, %add3A_17, %gt3A_18 : vector<512x32xf32>
    %exp3A = math.exp %add3A_17 : vector<512x32xf32>
    %sub3A = arith.constant 1.000000e+00 : f32
    %sub3A_20 = vector.broadcast %sub3A : f32 to vector<512x32xf32>
    %sub3A_21 = arith.subf %exp3A, %sub3A_20 : vector<512x32xf32>
    %select_n3A = arith.select %gt3A_19, %add3A_17, %sub3A_21 : vector<512x32xi1>, vector<512x32xf32>
    %get3A_22 = arith.constant 0 : index
    %get3A_23 = arith.constant 0 : index
    %get3A_24 = vector.load %arg4[%get3A_22, %get3A_23] : memref<1x32xf32, #tpu.memory_space<vmem>>, vector<1x32xf32>
    %get3A_25 = arith.constant 0 : index
    %get3A_26 = arith.constant 0 : index
    %get3A_27 = vector.load %arg5[%get3A_25, %get3A_26] : memref<1x32xf32, #tpu.memory_space<vmem>>, vector<1x32xf32>
    %reduce_sum3A = arith.constant dense<0.000000e+00> : vector<512xf32>
    %reduce_sum3A_28 = vector.multi_reduction <add>, %select_n3A, %reduce_sum3A [1] : vector<512x32xf32> to vector<512xf32>
    %broadcast_in_dim3A = vector.shape_cast %reduce_sum3A_28 : vector<512xf32> to vector<512x1xf32>
    %div3A = arith.constant 3.200000e+01 : f32
    %div3A_29 = vector.broadcast %div3A : f32 to vector<512x1xf32>
    %div3A_30 = arith.divf %broadcast_in_dim3A, %div3A_29 : vector<512x1xf32>
    %sub3A_31 = vector.broadcast %div3A_30 : vector<512x1xf32> to vector<512x32xf32>
    %sub3A_32 = arith.subf %select_n3A, %sub3A_31 : vector<512x32xf32>
    %integer_pow3A = arith.mulf %sub3A_32, %sub3A_32 : vector<512x32xf32>
    %reduce_sum3A_33 = arith.constant dense<0.000000e+00> : vector<512xf32>
    %reduce_sum3A_34 = vector.multi_reduction <add>, %integer_pow3A, %reduce_sum3A_33 [1] : vector<512x32xf32> to vector<512xf32>
    %broadcast_in_dim3A_35 = vector.shape_cast %reduce_sum3A_34 : vector<512xf32> to vector<512x1xf32>
    %div3A_36 = arith.constant 3.200000e+01 : f32
    %div3A_37 = vector.broadcast %div3A_36 : f32 to vector<512x1xf32>
    %div3A_38 = arith.divf %broadcast_in_dim3A_35, %div3A_37 : vector<512x1xf32>
    %sub3A_39 = vector.broadcast %div3A_30 : vector<512x1xf32> to vector<512x32xf32>
    %sub3A_40 = arith.subf %select_n3A, %sub3A_39 : vector<512x32xf32>
    %add3A_41 = arith.constant 9.99999974E-6 : f32
    %add3A_42 = vector.broadcast %add3A_41 : f32 to vector<512x1xf32>
    %add3A_43 = arith.addf %div3A_38, %add3A_42 : vector<512x1xf32>
    %rsqrt3A = math.rsqrt %add3A_43 : vector<512x1xf32>
    %mul3A = vector.broadcast %rsqrt3A : vector<512x1xf32> to vector<512x32xf32>
    %mul3A_44 = arith.mulf %sub3A_40, %mul3A : vector<512x32xf32>
    %mul3A_45 = vector.broadcast %get3A_24 : vector<1x32xf32> to vector<512x32xf32>
    %mul3A_46 = arith.mulf %mul3A_44, %mul3A_45 : vector<512x32xf32>
    %add3A_47 = vector.broadcast %get3A_27 : vector<1x32xf32> to vector<512x32xf32>
    %add3A_48 = arith.addf %mul3A_46, %add3A_47 : vector<512x32xf32>
    %swap3A = arith.constant 0 : index
    %swap3A_49 = arith.constant 0 : index
    %swap3A_50 = vector.load %arg6[%swap3A, %swap3A_49] : memref<512x32xf32, #tpu.memory_space<vmem>>, vector<512x32xf32>
    tpu.vector_store %arg6[%swap3A, %swap3A_49], %add3A_48 {strides = array<i32>} : memref<512x32xf32, #tpu.memory_space<vmem>>, vector<512x32xf32>,
    %slice3A_51 = vector.extract_strided_slice %add3A {offsets = [0, 32], sizes = [512, 9], strides = [1, 1]} : vector<512x128xf32> to vector<512x9xf32>
    %get3A_52 = arith.constant 0 : index
    %get3A_53 = arith.constant 0 : index
    %get3A_54 = vector.load %arg2[%get3A_52, %get3A_53] : memref<512x9xf32, #tpu.memory_space<vmem>>, vector<512x9xf32>
    %slice3A_55 = vector.extract_strided_slice %slice3A_51 {offsets = [0, 0], sizes = [512, 1], strides = [1, 1]} : vector<512x9xf32> to vector<512x1xf32>
    %slice3A_56 = vector.extract_strided_slice %slice3A_51 {offsets = [0, 3], sizes = [512, 1], strides = [1, 1]} : vector<512x9xf32> to vector<512x1xf32>
    %slice3A_57 = vector.extract_strided_slice %slice3A_51 {offsets = [0, 6], sizes = [512, 1], strides = [1, 1]} : vector<512x9xf32> to vector<512x1xf32>
    %concatenate3A = tpu.concatenate %slice3A_55, %slice3A_56, %slice3A_57 in 1 : vector<512x1xf32>, vector<512x1xf32>, vector<512x1xf32> -> vector<512x3xf32>
    %slice3A_58 = vector.extract_strided_slice %slice3A_51 {offsets = [0, 1], sizes = [512, 1], strides = [1, 1]} : vector<512x9xf32> to vector<512x1xf32>
    %slice3A_59 = vector.extract_strided_slice %slice3A_51 {offsets = [0, 4], sizes = [512, 1], strides = [1, 1]} : vector<512x9xf32> to vector<512x1xf32>
    %slice3A_60 = vector.extract_strided_slice %slice3A_51 {offsets = [0, 7], sizes = [512, 1], strides = [1, 1]} : vector<512x9xf32> to vector<512x1xf32>
    %concatenate3A_61 = tpu.concatenate %slice3A_58, %slice3A_59, %slice3A_60 in 1 : vector<512x1xf32>, vector<512x1xf32>, vector<512x1xf32> -> vector<512x3xf32>
    %slice3A_62 = vector.extract_strided_slice %slice3A_51 {offsets = [0, 2], sizes = [512, 1], strides = [1, 1]} : vector<512x9xf32> to vector<512x1xf32>
    %slice3A_63 = vector.extract_strided_slice %slice3A_51 {offsets = [0, 5], sizes = [512, 1], strides = [1, 1]} : vector<512x9xf32> to vector<512x1xf32>
    %slice3A_64 = vector.extract_strided_slice %slice3A_51 {offsets = [0, 8], sizes = [512, 1], strides = [1, 1]} : vector<512x9xf32> to vector<512x1xf32>
    %concatenate3A_65 = tpu.concatenate %slice3A_62, %slice3A_63, %slice3A_64 in 1 : vector<512x1xf32>, vector<512x1xf32>, vector<512x1xf32> -> vector<512x3xf32>
    %slice3A_66 = vector.extract_strided_slice %get3A_54 {offsets = [0, 3], sizes = [512, 3], strides = [1, 1]} : vector<512x9xf32> to vector<512x3xf32>
    %add3A_67 = arith.addf %slice3A_66, %concatenate3A_61 : vector<512x3xf32>
    %add3A_68 = arith.addf %add3A_67, %concatenate3A : vector<512x3xf32>
    %add3A_69 = arith.addf %add3A_67, %concatenate3A_65 : vector<512x3xf32>
    %concatenate3A_70 = tpu.concatenate %add3A_68, %add3A_67, %add3A_69 in 1 : vector<512x3xf32>, vector<512x3xf32>, vector<512x3xf32> -> vector<512x9xf32>
    %swap3A_71 = arith.constant 0 : index
    %swap3A_72 = arith.constant 0 : index
    %swap3A_73 = vector.load %arg7[%swap3A_71, %swap3A_72] : memref<512x9xf32, #tpu.memory_space<vmem>>, vector<512x9xf32>
    tpu.vector_store %arg7[%swap3A_71, %swap3A_72], %concatenate3A_70 {strides = array<i32>} : memref<512x9xf32, #tpu.memory_space<vmem>>, vector<512x9xf32>,
    return
  }
}

</mosaic_0001>

<sc_bundles>
// kernel: kernel.11.cloned.1.call-start
scs
__scs_entry_jumppad:
0x0: {  	(pc) =	sbr.rel $0x88, $3  }
0x1: {  	(tag) =	ssettag $0x0;
	lr =	simm.s32 $0x1  }
0x2: {  	[smem:$0x3F87] =	sst lr;
	_ =	strace $0xD0000000  }
0x3: {  	_ = 	snop  }
0x4: {  	_ = 	snop  }
0x5: {  	_ = 	snop  }
0x6: {  	_ = 	snop  }
0x7: {  	_ = 	snop  }
__scs_overlays_trampoline_lowered:
0x8: {  	[smem:$0x3F96] =	sst s0  }
0x9: {  	[smem:$0x3F97] =	sst s1  }
0xa: {  	[smem:$0x3F98] =	sst s2  }
0xb: {  	[smem:$0x3F99] =	sst s3  }
0xc: {  	[smem:$0x3F9A] =	sst s4  }
0xd: {  	[smem:$0x3F9B] =	sst s5  }
0xe: {  	[smem:$0x3F9C] =	sst s6  }
0xf: {  	[smem:$0x3F9D] =	sst s7  }
0x10: {  	[smem:$0x3F9E] =	sst s8  }
0x11: {  	[smem:$0x3F9F] =	sst s9;
	s0 =	simm.s32 @!p0 $0x0  }
0x12: {  	s1 =	sld [smem:$0x3F85];
	s0 =	simm.s32 @p0 $0x1  }
0x13: {  	[smem:$0x3FA0] =	sst s0;
	s0 =	simm.s32 @!p1 $0x0  }
0x14: {  	s2 =	sld [smem:$0x3F84];
	s0 =	simm.s32 @p1 $0x1  }
0x15: {  	[smem:$0x3FA1] =	sst s0;
	s0 =	simm.s32 @!p2 $0x0  }
0x16: {  	s3 =	sld [smem:$0x3FDB];
	s0 =	simm.s32 @p2 $0x1  }
0x17: {  	s4 =	simm.s32 $0x1BF5;
	[smem:$0x3FA3] =	sst s0  }
0x18: {  	s0 =	sld [smem:$0x3F86];
	_ =	swait.ge [sflag:s4], $0x0  }
0x19: {  	s7 =	sld [smem:$0x3F87]  }
0x1a: {  	s8 =	sadd.s32 $0xFFFFE003, lr  }
0x1b: {  	s9 =	sadd.s32 $0xFFFFFEF7, lr;
	s5 =	simm.s32 $0xFFFFFFFF;
	p2 =	slt.u32 s8, $0xFFFFF086  }
0x1c: {  	p1 =	slt.u32 s9, $0xF7A;
	s5 =	simm.s32 @!p2 $0x0  }
0x1d: {  	s5 =	simm.s32 @p1 $0x1;
	p0 =	seq.s32 s7, s2  }
0x1e: {  	s7 =	smul.u32 @!p0 $0xF7A, s2;
	p2 =	seq.s32 @!p0 s5, $0x0  }
0x1f: {  	s9 =	smul.u32 $0xF7A, s1;
	s8 =	simm.s32 @!p0 $0x1BF5;
	p2 =	por !p2, p0  }
0x20: {  	[sflag:s8] =	ssyncset.s32 @!p0 $0xFFFFF086;
	s6 =	sadd.s32 @!p0 s3, s7;
	s7 =	simm.s32 @!p0 $0x108  }
0x21: {  	s3 =	sadd.s32 s3, s9;
	s6 =	sadd.s32 @!p0 $0x88, s6;
	s7 =	simm.s32 @p2 $0x1082  }
0x22: {  	[simem:s7], [sflag:s8] =	dma.local @!p0 [hbm:s6], $0xF7A  }
0x23: {  	s9 =	sor.u32 $0xD0000000, s2;
	s6 =	simm.s32 $0x108;
	_ =	swait.ge @!p0 [sflag:s8], $0x0  }
0x24: {  	s3 =	sadd.s32 $0x88, s3;
	s6 =	simm.s32 @!p1 $0x1082;
	[sflag:s4] =	ssyncset.s32 $0xFFFFF086  }
0x25: {  	[simem:s6], [sflag:s4] =	dma.local [hbm:s3], $0xF7A  }
0x26: {  	[smem:$0x3F87] =	sst s1;
	(tag) =	ssettag s2;
	_ =	strace s9  }
0x27: {  	s1 =	sld [smem:$0x3F97]  }
0x28: {  	s2 =	sld [smem:$0x3F98]  }
0x29: {  	s4 =	sld [smem:$0x3F9A]  }
0x2a: {  	p0 =	seq.s32 s5, $0x0;
	s5 =	sld [smem:$0x3F9B]  }
0x2b: {  	s6 =	sld [smem:$0x3F9C]  }
0x2c: {  	s7 =	sld [smem:$0x3F9D]  }
0x2d: {  	s3 =	simm.s32 $0x108;
	s8 =	sld [smem:$0x3F9E]  }
0x2e: {  	s3 =	simm.s32 @!p0 $0x1082;
	s9 =	sld [smem:$0x3F9F]  }
0x2f: {  	lr =	sadd.s32 s0, s3;
	s0 =	sld [smem:$0x3F96]  }
0x30: {  	s3 =	sld [smem:$0x3F99]  }
0x31: {  	[smem:$0x3FA2] =	sst s10  }
0x32: {  	s10 =	sld [smem:$0x3FA0];
	_ =	sdelay $0x3  }
0x33: {  	p0 =	seq.s32 s10, $0x1;
	s10 =	sld [smem:$0x3FA2];
	_ =	sdelay $0x3  }
0x34: {  	[smem:$0x3FA2] =	sst s10  }
0x35: {  	s10 =	sld [smem:$0x3FA1];
	_ =	sdelay $0x3  }
0x36: {  	p1 =	seq.s32 s10, $0x1;
	s10 =	sld [smem:$0x3FA2];
	_ =	sdelay $0x3  }
0x37: {  	[smem:$0x3FA2] =	sst s10  }
0x38: {  	s10 =	sld [smem:$0x3FA3]  }
0x39: {  	_ = 	snop;
	(pc) =	sbr.ind lr, $3  }
0x3a: {  	_ = 	snop  }
0x3b: {  	_ = 	snop  }
0x3c: {  	p2 =	seq.s32 s10, $0x1;
	s10 =	sld [smem:$0x3FA2]  }
0x3d: {  	_ =	shalt  }
0x3e: {  	_ =	shalt  }
0x3f: {  	_ =	shalt  }
0x40: {  	_ =	shalt  }
0x41: {  	_ =	shalt  }
0x42: {  	_ =	shalt  }
0x43: {  	_ =	shalt  }
0x44: {  	_ =	shalt  }
0x45: {  	_ =	shalt  }
0x46: {  	_ =	shalt  }
0x47: {  	_ =	shalt  }
0x48: {  	_ =	shalt  }
0x49: {  	_ =	shalt  }
0x4a: {  	_ =	shalt  }
0x4b: {  	_ =	shalt  }
0x4c: {  	_ =	shalt  }
0x4d: {  	_ =	shalt  }
0x4e: {  	_ =	shalt  }
0x4f: {  	_ =	shalt  }
0x50: {  	_ =	shalt  }
0x51: {  	_ =	shalt  }
0x52: {  	_ =	shalt  }
0x53: {  	_ =	shalt  }
0x54: {  	_ =	shalt  }
0x55: {  	_ =	shalt  }
0x56: {  	_ =	shalt  }
0x57: {  	_ =	shalt  }
0x58: {  	_ =	shalt  }
0x59: {  	_ =	shalt  }
0x5a: {  	_ =	shalt  }
0x5b: {  	_ =	shalt  }
0x5c: {  	_ =	shalt  }
0x5d: {  	_ =	shalt  }
0x5e: {  	_ =	shalt  }
0x5f: {  	_ =	shalt  }
0x60: {  	_ =	shalt  }
0x61: {  	_ =	shalt  }
0x62: {  	_ =	shalt  }
0x63: {  	_ =	shalt  }
0x64: {  	_ =	shalt  }
0x65: {  	_ =	shalt  }
0x66: {  	_ =	shalt  }
0x67: {  	_ =	shalt  }
0x68: {  	_ =	shalt  }
0x69: {  	_ =	shalt  }
0x6a: {  	_ =	shalt  }
0x6b: {  	_ =	shalt  }
0x6c: {  	_ =	shalt  }
0x6d: {  	_ =	shalt  }
0x6e: {  	_ =	shalt  }
0x6f: {  	_ =	shalt  }
0x70: {  	_ =	shalt  }
0x71: {  	_ =	shalt  }
0x72: {  	_ =	shalt  }
0x73: {  	_ =	shalt  }
0x74: {  	_ =	shalt  }
0x75: {  	_ =	shalt  }
0x76: {  	_ =	shalt  }
0x77: {  	_ =	shalt  }
0x78: {  	_ =	shalt  }
0x79: {  	_ =	shalt  }
0x7a: {  	_ =	shalt  }
0x7b: {  	_ =	shalt  }
0x7c: {  	_ =	shalt  }
0x7d: {  	_ =	shalt  }
0x7e: {  	_ =	shalt  }
0x7f: {  	_ =	shalt  }
0x80: {  	_ =	shalt  }
0x81: {  	_ =	shalt  }
0x82: {  	_ =	shalt  }
0x83: {  	_ =	shalt  }
0x84: {  	_ =	shalt  }
0x85: {  	_ =	shalt  }
0x86: {  	_ =	shalt  }
0x87: {  	_ =	shalt  }
.Lfunc_end0:
.L_simem_size_0:
called_computation.1_lowered:
.L_overlay_start_0:
0x88: {  	s2 =	sld [smem:$0x3FD9]  }
0x89: {  	s3 =	sld [smem:$0x3FFE];
	_ =	sdelay $0x1  }
0x8a: {  	s1 =	srdreg.scid  }
0x8b: {  	s0 =	sand.u32 $0x1, s1  }
0x8c: {  	s16 =	sshll.u32 s0, $0xA;
	s2 =	sadd.s32 s3, s2  }
0x8d: {  	s2 =	sadd.s32 s2, s16  }
0x8e: {  	[smem:$0x3FAE] =	sst s2  }
0x8f: {  	_ = 	snop  }
0x90: {  	(tm) =	ssettm $0x1  }
0x91: {  	s17 =	sld [smem:$0x3FFB];
	_ =	sdelay $0x3  }
0x92: {  	_ =	strace s17  }
0x93: {  	s2 =	sld [smem:$0x3FFC];
	_ =	sdelay $0x3  }
0x94: {  	_ =	strace s2  }
0x95: {  	s2 =	sld [smem:$0x3FFD];
	_ =	sdelay $0x3  }
0x96: {  	_ =	strace s2  }
0x97: {  	_ =	strace $0x8FFFFFFF  }
0x98: {  	s18 =	sld [smem:$0x3FDB];
	_ =	sdelay $0x1  }
0x99: {  	s19 =	simm.s32 $_scs_section_size  }
0x9a: {  	s4 =	simm.s32 $_size__tile_overlayer_lowered;
	s5 =	simm.s32 $_tile_overlayer_lowered  }
0x9b: {  	s22 =	simm.s32 $0x1BFF;
	s21 =	sshll.u32 s5, $0x1;
	s2 =	sadd.s32 s19, s18  }
0x9c: {  	s6 =	simm.s32 $0x0;
	s20 =	sshll.u32 s4, $0x1;
	s4 =	sadd.s32 s21, s2  }
0x9d: {  	[timem:s6], [sflag:s22] =	dma.local [hbm:s4], s20  }
0x9e: {  	_ =	swait.ge [sflag:s22], s20  }
0x9f: {  	s3 =	ssub.s32 $0x0, s20;
	[sflag:s22] =	ssyncset.done $0x0  }
0xa0: {  	[sflag:s22] =	ssyncadd.s32 s3;
	_ =	sdelay $0x1  }
0xa1: {  	s23 =	simm.s32 $0x1B8B  }
0xa2: {  	_ =	swait.ge [sflag:s23], $0x1  }
0xa3: {  	[sflag:s23] =	ssyncset.done $0x0  }
0xa4: {  	s25 =	simm.s32 $0x1B8E;
	s24 =	sld [smem:$0x3FFE];
	[sflag:s23] =	ssyncadd.s32 $0xFFFFFFFF  }
0xa5: {  	s26 =	simm.s32 $execute0_lowered;
	[smem:$0x3FD2] =	sst s25  }
0xa6: {  	s4 =	sshll.u32 s26, $0x1;
	_ =	strace $0x80000049;
	[dreg:$0x1] =	wrdreg $0xFFFFFFFF  }
0xa7: {  	s28 =	simm.s32 $_size_execute0_lowered;
	s2 =	sadd.s32 s2, s4;
	[dreg:$0x0] =	wrdreg $0x0  }
0xa8: {  	s4 =	sshll.u32 s28, $0x1;
	[dreg:$0x2] =	wrdreg s2  }
0xa9: {  	[dreg:$0x3] =	wrdreg s4  }
0xaa: {  	[dreg:$0x4] =	wrdreg $0xC0  }
0xab: {  	_ =	task [dreg:s6], $0x5FFFF  }
0xac: {  	[dreg:$0x1] =	wrdreg $0xFFFFFFFF  }
0xad: {  	[dreg:$0x0] =	wrdreg $0x60  }
0xae: {  	[dreg:$0x2] =	wrdreg s24  }
0xaf: {  	[dreg:$0x3] =	wrdreg $0x51000  }
0xb0: {  	[dreg:$0x4] =	wrdreg $0x9  }
0xb1: {  	_ =	task.clear_ibuf [dreg:s6], $0x5FFFF;
	_ =	strace $0x90000049  }
0xb2: {  	s29 =	simm.s32 $0x9;
	_ =	strace $0x8000004B  }
0xb3: {  	_ =	swait.ge [sflag:s29], $0x1  }
0xb4: {  	[sflag:s29] =	ssyncadd.s32 $0xFFFFFFFF  }
0xb5: {  	_ =	strace $0x9000004B  }
0xb6: {  	_ =	sfence  }
0xb7: {  	s30 =	sld [smem:$0x0];
	_ =	sdelay $0x2  }
0xb8: {  	s31 =	sshll.u32 s1, $0xD;
	s1 =	sshrl.u32 s1, $0x2  }
0xb9: {  	s3 =	sand.u32 $0x4000, s31;
	s1 =	sadd.s32 s1, s30  }
0xba: {  	s0 =	sor.u32 s3, s0;
	s1 =	sshll.u32 s1, $0x11  }
0xbb: {  	s0 =	sor.u32 s1, s0  }
0xbc: {  	s0 =	sadd.s32 $0x8F2B, s0  }
0xbd: {  	[sflag:s0] =	ssyncadd.remote.s32 $0x1  }
0xbe: {  	_ =	sfence.sel $0xFFFF  }
0xbf: {  	[dreg:$0x0] =	wrdreg $0xFFFFFFFF;
	(pc) =	sbr.abs _section_cstart, $3  }
0xc0: {  	[dreg:$0x1] =	wrdreg $0xFFFFFFFF  }
0xc1: {  	_ =	task.clear_ibuf [dreg:s6], $0x2FFFF;
	_ =	strace $0x9FFFFFFF  }
0xc2: {  	(tm) =	ssettm $0x7FFFFFFF  }
0xc3: {  	_ =	shalt  }
tec
execute0_lowered:
.L_overlay_start_1:
0x0: {  	(tag) =	ssettag $0x1  }
0x1: {  	s5 =	rddreg [dreg:$0x0]  }
0x2: {  	s1 =	rddreg [dreg:$0x1]  }
0x3: {  	s8 =	stileid.u32;
	s0 =	rddreg [dreg:$0x2];
	s2 =	simm.s32 $0x0  }
0x4: {  	s4 =	srdreg.scid;
	s13 =	simm.s32 $0x2800;
	s14 =	simm.s32 $0x5080  }
0x5: {  	s15 =	simm.s32 $0x1;
	s16 =	simm.s32 $0x0;
	s3 =	smul.u32 $0xA000, s8  }
0x6: {  	[smem:$0x7FF] =	sst s2;
	s9 =	sand.u32 $0x1, s4;
	s4 =	sadd.s32 $0xA4400, s5  }
0x7: {  	s31 =	sshll.u32 s8, $0x9;
	p0 =	sne.s32 s8, $0x0;
	_ =	strace $0x8000004A  }
0x8: {  	s7 =	ssub.s32 $0x2, s9;
	s10 =	smul.u32 $0x5000, s9;
	s11 =	sshll.u32 s9, $0xD  }
0x9: {  	s9 =	sshll.u32 s9, $0x8;
	s6 =	sadd.s32 s3, s5;
	s3 =	sadd.s32 $0x146400, s5  }
0xa: {  	s12 =	sshrl.u32 s7, $0x1;
	s5 =	sadd.s32 s11, s5;
	s8 =	sor.u32 s9, s31  }
0xb: {  	s9 =	sshrl.u32 @!p0 s1, $0x3;
	s11 =	simm.s32 $0x5000;
	s7 =	ssub.s32 s7, s12  }
0xc: {  	s10 =	sadd.s32 s10, s6;
	s5 =	sadd.s32 $0xA6600, s5;
	s12 =	simm.s32 $0x50  }
0xd: {  	s6 =	smax.u32 s7, $0x1;
	s7 =	sadd.s32 $0x4900, s10;
	s10 =	simm.s32 $0x2  }
.LBB2_1:
0xe: {  	s17 =	simm.s32 @!p0 $0x1C02  }
0xf: {  	[spmem:s9], [sflag:s17] =	dma.local @!p0 [hbm:s4], $0x2080  }
0x10: {  	s17 =	simm.s32 @!p0 $0x2  }
0x11: {  	_ =	swait.ge @!p0 [sflag:s17], $0x2080  }
0x12: {  	[sflag:s17] =	ssyncset.done @!p0 $0x0  }
0x13: {  	[sflag:s17] =	ssyncadd.s32 @!p0 $0xFFFFDF80  }
0x14: {  	s29 =	sadd.s32 $0xFFFFFB00, s7;
	[bflag:$0x0] =	sbarrier.arrive $0xFFFF  }
0x15: {  	[tilespmem:s2], [sflag:$0x2] =	stream.linear.gather [hbm4b:s29+s2], $0x2800, $0x38;
	[tilespmem:$0x6140] =	vst v63  }
0x16: {  	s30 =	sadd.s32 $0x0, s8;
	s18 =	sand.u32 $0x60, s2;
	_ =	swait.ge [sflag:s10], $0x2800  }
0x17: {  	s19 =	sand.u32 $0x1F80, s30;
	s18 =	sadd.s32 s3, s18;
	[sflag:s10] =	ssyncset.done $0x0  }
0x18: {  	s18 =	sadd.s32 s19, s18;
	[sflag:s10] =	ssyncadd.s32 $0xFFFFD800  }
0x19: {  	[tilespmem:s11], [sflag:$0x2] =	stream.linear.gather [hbm4b:s18+s2], $0x80, $0x38;
	[tilespmem:$0x6140] =	vst v63  }
0x1a: {  	_ =	swait.ge [sflag:s10], $0x80  }
0x1b: {  	[sflag:s10] =	ssyncset.done $0x0  }
0x1c: {  	[sflag:s10] =	ssyncadd.s32 $0xFFFFFF80  }
0x1d: {  	[spmem:s1] =	stream.indirect.scatter.add.f32 [tilespmem:s2], [sflag:$0x1], $0x80, s11, s12, $0xb8;
	[tilespmem:$0x6140] =	vst v63  }
0x1e: {  	_ = 	snop  }
0x1f: {  	[tilespmem:s13], [sflag:$0x2] =	stream.linear.gather [hbm4b:s7+s2], $0x2800, $0x38;
	[tilespmem:$0x6140] =	vst v63  }
0x20: {  	s17 =	sadd.s32 $0x10, s30;
	_ =	swait.ge [sflag:s10], $0x2800  }
0x21: {  	s31 =	sadd.s32 s3, s19;
	s17 =	sand.u32 $0x70, s17;
	[sflag:s10] =	ssyncset.done $0x0  }
0x22: {  	s17 =	sadd.s32 s17, s31;
	[sflag:s10] =	ssyncadd.s32 $0xFFFFD800  }
0x23: {  	[tilespmem:s14], [sflag:$0x2] =	stream.linear.gather [hbm4b:s17+s2], $0x80, $0x38;
	[tilespmem:$0x6140] =	vst v63  }
0x24: {  	_ =	swait.ge [sflag:s10], $0x80  }
0x25: {  	[sflag:s10] =	ssyncset.done $0x0  }
0x26: {  	[sflag:s10] =	ssyncadd.s32 $0xFFFFFF80  }
0x27: {  	_ =	swait.ge [sflag:s15], $0x2800  }
0x28: {  	[sflag:s15] =	ssyncset.done $0x0  }
0x29: {  	[sflag:s15] =	ssyncadd.s32 $0xFFFFD800  }
0x2a: {  	[spmem:s1] =	stream.indirect.scatter.add.f32 [tilespmem:s13], [sflag:$0x1], $0x80, s14, s12, $0xb8;
	[tilespmem:$0x6140] =	vst v63  }
0x2b: {  	s19 =	simm.s32 $0x20;
	_ =	swait.ge [sflag:s15], $0x2800  }
0x2c: {  	s18 =	simm.s32 $0x40;
	s17 =	sadd.s32 $0xA00, s7;
	[sflag:s15] =	ssyncset.done $0x0  }
.LBB2_2:
0x2d: {  	p1 =	sne.s32 s18, $0xE0  }
0x2e: {  	s20 =	sadd.s32 $0xFFFFFB00, s17;
	[sflag:s15] =	ssyncadd.s32 $0xFFFFD800;
	s21 =	smov.u32 s18  }
0x2f: {  	[tilespmem:s2], [sflag:$0x2] =	stream.linear.gather [hbm4b:s20+s2], $0x2800, $0x38;
	[tilespmem:$0x6140] =	vst v63  }
0x30: {  	s20 =	sadd.s32 s19, s8;
	s19 =	sand.u32 $0x60, s19;
	_ =	swait.ge [sflag:s10], $0x2800  }
0x31: {  	s22 =	sand.u32 $0x1F80, s20;
	s19 =	sadd.s32 s3, s19;
	[sflag:s10] =	ssyncset.done $0x0  }
0x32: {  	s20 =	sadd.s32 $0x10, s20;
	s19 =	sadd.s32 s22, s19;
	[sflag:s10] =	ssyncadd.s32 $0xFFFFD800  }
0x33: {  	[tilespmem:s11], [sflag:$0x2] =	stream.linear.gather [hbm4b:s19+s2], $0x80, $0x38;
	[tilespmem:$0x6140] =	vst v63  }
0x34: {  	s18 =	sadd.s32 $0x20, s18;
	s20 =	sand.u32 $0x70, s20;
	_ =	swait.ge [sflag:s10], $0x80  }
0x35: {  	s19 =	smov.u32 s21;
	[sflag:s10] =	ssyncset.done $0x0  }
0x36: {  	[sflag:s10] =	ssyncadd.s32 $0xFFFFFF80  }
0x37: {  	[spmem:s1] =	stream.indirect.scatter.add.f32 [tilespmem:s2], [sflag:$0x1], $0x80, s11, s12, $0xb8;
	[tilespmem:$0x6140] =	vst v63  }
0x38: {  	_ = 	snop  }
0x39: {  	[tilespmem:s13], [sflag:$0x2] =	stream.linear.gather [hbm4b:s17+s2], $0x2800, $0x38;
	[tilespmem:$0x6140] =	vst v63  }
0x3a: {  	_ =	swait.ge [sflag:s10], $0x2800  }
0x3b: {  	s21 =	sadd.s32 s3, s22;
	[sflag:s10] =	ssyncset.done $0x0  }
0x3c: {  	s20 =	sadd.s32 s20, s21;
	[sflag:s10] =	ssyncadd.s32 $0xFFFFD800  }
0x3d: {  	[tilespmem:s14], [sflag:$0x2] =	stream.linear.gather [hbm4b:s20+s2], $0x80, $0x38;
	[tilespmem:$0x6140] =	vst v63  }
0x3e: {  	_ =	swait.ge [sflag:s10], $0x80  }
0x3f: {  	[sflag:s10] =	ssyncset.done $0x0  }
0x40: {  	[sflag:s10] =	ssyncadd.s32 $0xFFFFFF80  }
0x41: {  	_ =	swait.ge [sflag:s15], $0x2800  }
.Ltmp0:
0x42: {  	[sflag:s15] =	ssyncset.done $0x0;
	(pc) =	sbr.rel @p1 .LBB2_2-.Ltmp0, $4  }
0x43: {  	[sflag:s15] =	ssyncadd.s32 $0xFFFFD800  }
0x44: {  	[spmem:s1] =	stream.indirect.scatter.add.f32 [tilespmem:s13], [sflag:$0x1], $0x80, s14, s12, $0xb8;
	[tilespmem:$0x6140] =	vst v63  }
0x45: {  	_ =	swait.ge [sflag:s15], $0x2800  }
0x46: {  	s17 =	sadd.s32 $0xA00, s17;
	[sflag:s15] =	ssyncset.done $0x0  }
0x47: {  	s18 =	sadd.s32 $0xFFFFFB00, s17;
	[sflag:s15] =	ssyncadd.s32 $0xFFFFD800  }
0x48: {  	[tilespmem:s2], [sflag:$0x2] =	stream.linear.gather [hbm4b:s18+s2], $0x2800, $0x38;
	[tilespmem:$0x6140] =	vst v63  }
0x49: {  	s28 =	sadd.s32 s19, s8;
	s29 =	sand.u32 $0x60, s19;
	_ =	swait.ge [sflag:s10], $0x2800  }
0x4a: {  	s20 =	sand.u32 $0x1F80, s28;
	s19 =	sadd.s32 s3, s29;
	[sflag:s10] =	ssyncset.done $0x0  }
0x4b: {  	s19 =	sadd.s32 s20, s19;
	[sflag:s10] =	ssyncadd.s32 $0xFFFFD800  }
0x4c: {  	[tilespmem:s11], [sflag:$0x2] =	stream.linear.gather [hbm4b:s19+s2], $0x80, $0x38;
	[tilespmem:$0x6140] =	vst v63  }
0x4d: {  	_ =	swait.ge [sflag:s10], $0x80  }
0x4e: {  	[sflag:s10] =	ssyncset.done $0x0  }
0x4f: {  	[sflag:s10] =	ssyncadd.s32 $0xFFFFFF80  }
0x50: {  	[spmem:s1] =	stream.indirect.scatter.add.f32 [tilespmem:s2], [sflag:$0x1], $0x80, s11, s12, $0xb8;
	[tilespmem:$0x6140] =	vst v63  }
0x51: {  	_ = 	snop  }
0x52: {  	[tilespmem:s13], [sflag:$0x2] =	stream.linear.gather [hbm4b:s17+s2], $0x2800, $0x38;
	[tilespmem:$0x6140] =	vst v63  }
0x53: {  	s30 =	sadd.s32 $0x10, s28;
	_ =	swait.ge [sflag:s10], $0x2800  }
0x54: {  	s31 =	sadd.s32 s3, s20;
	s17 =	sand.u32 $0x70, s30;
	[sflag:s10] =	ssyncset.done $0x0  }
0x55: {  	s17 =	sadd.s32 s17, s31;
	[sflag:s10] =	ssyncadd.s32 $0xFFFFD800  }
0x56: {  	[tilespmem:s14], [sflag:$0x2] =	stream.linear.gather [hbm4b:s17+s2], $0x80, $0x38;
	[tilespmem:$0x6140] =	vst v63  }
0x57: {  	_ =	swait.ge [sflag:s10], $0x80  }
0x58: {  	[sflag:s10] =	ssyncset.done $0x0  }
0x59: {  	[sflag:s10] =	ssyncadd.s32 $0xFFFFFF80  }
0x5a: {  	_ =	swait.ge [sflag:s15], $0x2800  }
0x5b: {  	[sflag:s15] =	ssyncset.done $0x0  }
0x5c: {  	[sflag:s15] =	ssyncadd.s32 $0xFFFFD800  }
0x5d: {  	[spmem:s1] =	stream.indirect.scatter.add.f32 [tilespmem:s13], [sflag:$0x1], $0x80, s14, s12, $0xb8;
	[tilespmem:$0x6140] =	vst v63  }
0x5e: {  	_ =	swait.ge [sflag:s15], $0x2800  }
0x5f: {  	[sflag:s15] =	ssyncset.done $0x0  }
0x60: {  	s16 =	sadd.s32 $0x1, s16;
	[sflag:s15] =	ssyncadd.s32 $0xFFFFD800  }
0x61: {  	p1 =	sne.s32 s16, s6;
	s17 =	simm.s32 @!p0 $0x1C02;
	[bflag:$0x0] =	sbarrier.arrive $0xFFFF  }
0x62: {  	[hbm:s5], [sflag:s17] =	dma.local @!p0 [spmem:s9], $0x2000  }
.Ltmp1:
0x63: {  	_ = 	snop;
	(pc) =	sbr.rel @p1 .LBB2_1-.Ltmp1, $4  }
0x64: {  	s17 =	simm.s32 @!p0 $0x2  }
0x65: {  	_ =	swait.ge @!p0 [sflag:s17], $0x2000  }
0x66: {  	[sflag:s17] =	ssyncset.done @!p0 $0x0  }
0x67: {  	[sflag:s17] =	ssyncadd.s32 @!p0 $0xFFFFE000  }
0x68: {  	_ =	sfence.sel $0x180000  }
0x69: {  	[bflag:$0x0] =	sbarrier.arrive $0xFFFF  }
0x6a: {  	_ =	strace $0x9000004A  }
0x6b: {  	s0 =	sadd.s32 @!p0 $0x100000, s0;
	[bflag:$0x2] =	sbarrier.arrive $0xFFFF  }
0x6c: {  	[sflag:s0] =	ssyncadd.tile.s32 @!p0 $0x1;
	_ =	shalt  }
.Lfunc_end2:
_tile_overlayer_lowered:
.L_overlay_start_2:
0x6d: {  	(tag) =	ssettag $0x2  }
0x6e: {  	s0 =	rddreg [dreg:$0x0];
	s2 =	stileid.u32  }
0x6f: {  	s1 =	rddreg [dreg:$0x1];
	p0 =	sne.s32 s2, $0x0  }
0x70: {  	s3 =	rddreg [dreg:$0x2];
	[bflag:$0x3] =	sbarrier.arrive $0xFFFF;
	s2 =	simm.s32 @!p0 $0x1C02  }
0x71: {  	[timem:s3], [sflag:s2] =	dma.local @!p0 [hbm:s0], s1  }
0x72: {  	s0 =	simm.s32 @!p0 $0x2  }
0x73: {  	_ =	swait.ge @!p0 [sflag:s0], s1  }
0x74: {  	s1 =	ssub.s32 @!p0 $0x0, s1;
	[sflag:s0] =	ssyncset.done @!p0 $0x0  }
0x75: {  	[sflag:s0] =	ssyncadd.s32 @!p0 s1  }
0x76: {  	[bflag:$0x3] =	sbarrier.arrive $0xFFFF  }
0x77: {  	_ =	shalt  }

// kernel: kernel.8.cloned.1.call-start
scs
__scs_entry_jumppad:
0x0: {  	(pc) =	sbr.rel $0x88, $3  }
0x1: {  	(tag) =	ssettag $0x0;
	lr =	simm.s32 $0x1  }
0x2: {  	[smem:$0x3F87] =	sst lr;
	_ =	strace $0xD0000000  }
0x3: {  	_ = 	snop  }
0x4: {  	_ = 	snop  }
0x5: {  	_ = 	snop  }
0x6: {  	_ = 	snop  }
0x7: {  	_ = 	snop  }
__scs_overlays_trampoline_lowered:
0x8: {  	[smem:$0x3F96] =	sst s0  }
0x9: {  	[smem:$0x3F97] =	sst s1  }
0xa: {  	[smem:$0x3F98] =	sst s2  }
0xb: {  	[smem:$0x3F99] =	sst s3  }
0xc: {  	[smem:$0x3F9A] =	sst s4  }
0xd: {  	[smem:$0x3F9B] =	sst s5  }
0xe: {  	[smem:$0x3F9C] =	sst s6  }
0xf: {  	[smem:$0x3F9D] =	sst s7  }
0x10: {  	[smem:$0x3F9E] =	sst s8  }
0x11: {  	[smem:$0x3F9F] =	sst s9;
	s0 =	simm.s32 @!p0 $0x0  }
0x12: {  	s1 =	sld [smem:$0x3F85];
	s0 =	simm.s32 @p0 $0x1  }
0x13: {  	[smem:$0x3FA0] =	sst s0;
	s0 =	simm.s32 @!p1 $0x0  }
0x14: {  	s2 =	sld [smem:$0x3F84];
	s0 =	simm.s32 @p1 $0x1  }
0x15: {  	[smem:$0x3FA1] =	sst s0;
	s0 =	simm.s32 @!p2 $0x0  }
0x16: {  	s3 =	sld [smem:$0x3FDB];
	s0 =	simm.s32 @p2 $0x1  }
0x17: {  	s4 =	simm.s32 $0x1BF5;
	[smem:$0x3FA3] =	sst s0  }
0x18: {  	s0 =	sld [smem:$0x3F86];
	_ =	swait.ge [sflag:s4], $0x0  }
0x19: {  	s7 =	sld [smem:$0x3F87]  }
0x1a: {  	s8 =	sadd.s32 $0xFFFFE003, lr  }
0x1b: {  	s9 =	sadd.s32 $0xFFFFFEF7, lr;
	s5 =	simm.s32 $0xFFFFFFFF;
	p2 =	slt.u32 s8, $0xFFFFF086  }
0x1c: {  	p1 =	slt.u32 s9, $0xF7A;
	s5 =	simm.s32 @!p2 $0x0  }
0x1d: {  	s5 =	simm.s32 @p1 $0x1;
	p0 =	seq.s32 s7, s2  }
0x1e: {  	s7 =	smul.u32 @!p0 $0xF7A, s2;
	p2 =	seq.s32 @!p0 s5, $0x0  }
0x1f: {  	s9 =	smul.u32 $0xF7A, s1;
	s8 =	simm.s32 @!p0 $0x1BF5;
	p2 =	por !p2, p0  }
0x20: {  	[sflag:s8] =	ssyncset.s32 @!p0 $0xFFFFF086;
	s6 =	sadd.s32 @!p0 s3, s7;
	s7 =	simm.s32 @!p0 $0x108  }
0x21: {  	s3 =	sadd.s32 s3, s9;
	s6 =	sadd.s32 @!p0 $0x88, s6;
	s7 =	simm.s32 @p2 $0x1082  }
0x22: {  	[simem:s7], [sflag:s8] =	dma.local @!p0 [hbm:s6], $0xF7A  }
0x23: {  	s9 =	sor.u32 $0xD0000000, s2;
	s6 =	simm.s32 $0x108;
	_ =	swait.ge @!p0 [sflag:s8], $0x0  }
0x24: {  	s3 =	sadd.s32 $0x88, s3;
	s6 =	simm.s32 @!p1 $0x1082;
	[sflag:s4] =	ssyncset.s32 $0xFFFFF086  }
0x25: {  	[simem:s6], [sflag:s4] =	dma.local [hbm:s3], $0xF7A  }
0x26: {  	[smem:$0x3F87] =	sst s1;
	(tag) =	ssettag s2;
	_ =	strace s9  }
0x27: {  	s1 =	sld [smem:$0x3F97]  }
0x28: {  	s2 =	sld [smem:$0x3F98]  }
0x29: {  	s4 =	sld [smem:$0x3F9A]  }
0x2a: {  	p0 =	seq.s32 s5, $0x0;
	s5 =	sld [smem:$0x3F9B]  }
0x2b: {  	s6 =	sld [smem:$0x3F9C]  }
0x2c: {  	s7 =	sld [smem:$0x3F9D]  }
0x2d: {  	s3 =	simm.s32 $0x108;
	s8 =	sld [smem:$0x3F9E]  }
0x2e: {  	s3 =	simm.s32 @!p0 $0x1082;
	s9 =	sld [smem:$0x3F9F]  }
0x2f: {  	lr =	sadd.s32 s0, s3;
	s0 =	sld [smem:$0x3F96]  }
0x30: {  	s3 =	sld [smem:$0x3F99]  }
0x31: {  	[smem:$0x3FA2] =	sst s10  }
0x32: {  	s10 =	sld [smem:$0x3FA0];
	_ =	sdelay $0x3  }
0x33: {  	p0 =	seq.s32 s10, $0x1;
	s10 =	sld [smem:$0x3FA2];
	_ =	sdelay $0x3  }
0x34: {  	[smem:$0x3FA2] =	sst s10  }
0x35: {  	s10 =	sld [smem:$0x3FA1];
	_ =	sdelay $0x3  }
0x36: {  	p1 =	seq.s32 s10, $0x1;
	s10 =	sld [smem:$0x3FA2];
	_ =	sdelay $0x3  }
0x37: {  	[smem:$0x3FA2] =	sst s10  }
0x38: {  	s10 =	sld [smem:$0x3FA3]  }
0x39: {  	_ = 	snop;
	(pc) =	sbr.ind lr, $3  }
0x3a: {  	_ = 	snop  }
0x3b: {  	_ = 	snop  }
0x3c: {  	p2 =	seq.s32 s10, $0x1;
	s10 =	sld [smem:$0x3FA2]  }
0x3d: {  	_ =	shalt  }
0x3e: {  	_ =	shalt  }
0x3f: {  	_ =	shalt  }
0x40: {  	_ =	shalt  }
0x41: {  	_ =	shalt  }
0x42: {  	_ =	shalt  }
0x43: {  	_ =	shalt  }
0x44: {  	_ =	shalt  }
0x45: {  	_ =	shalt  }
0x46: {  	_ =	shalt  }
0x47: {  	_ =	shalt  }
0x48: {  	_ =	shalt  }
0x49: {  	_ =	shalt  }
0x4a: {  	_ =	shalt  }
0x4b: {  	_ =	shalt  }
0x4c: {  	_ =	shalt  }
0x4d: {  	_ =	shalt  }
0x4e: {  	_ =	shalt  }
0x4f: {  	_ =	shalt  }
0x50: {  	_ =	shalt  }
0x51: {  	_ =	shalt  }
0x52: {  	_ =	shalt  }
0x53: {  	_ =	shalt  }
0x54: {  	_ =	shalt  }
0x55: {  	_ =	shalt  }
0x56: {  	_ =	shalt  }
0x57: {  	_ =	shalt  }
0x58: {  	_ =	shalt  }
0x59: {  	_ =	shalt  }
0x5a: {  	_ =	shalt  }
0x5b: {  	_ =	shalt  }
0x5c: {  	_ =	shalt  }
0x5d: {  	_ =	shalt  }
0x5e: {  	_ =	shalt  }
0x5f: {  	_ =	shalt  }
0x60: {  	_ =	shalt  }
0x61: {  	_ =	shalt  }
0x62: {  	_ =	shalt  }
0x63: {  	_ =	shalt  }
0x64: {  	_ =	shalt  }
0x65: {  	_ =	shalt  }
0x66: {  	_ =	shalt  }
0x67: {  	_ =	shalt  }
0x68: {  	_ =	shalt  }
0x69: {  	_ =	shalt  }
0x6a: {  	_ =	shalt  }
0x6b: {  	_ =	shalt  }
0x6c: {  	_ =	shalt  }
0x6d: {  	_ =	shalt  }
0x6e: {  	_ =	shalt  }
0x6f: {  	_ =	shalt  }
0x70: {  	_ =	shalt  }
0x71: {  	_ =	shalt  }
0x72: {  	_ =	shalt  }
0x73: {  	_ =	shalt  }
0x74: {  	_ =	shalt  }
0x75: {  	_ =	shalt  }
0x76: {  	_ =	shalt  }
0x77: {  	_ =	shalt  }
0x78: {  	_ =	shalt  }
0x79: {  	_ =	shalt  }
0x7a: {  	_ =	shalt  }
0x7b: {  	_ =	shalt  }
0x7c: {  	_ =	shalt  }
0x7d: {  	_ =	shalt  }
0x7e: {  	_ =	shalt  }
0x7f: {  	_ =	shalt  }
0x80: {  	_ =	shalt  }
0x81: {  	_ =	shalt  }
0x82: {  	_ =	shalt  }
0x83: {  	_ =	shalt  }
0x84: {  	_ =	shalt  }
0x85: {  	_ =	shalt  }
0x86: {  	_ =	shalt  }
0x87: {  	_ =	shalt  }
.Lfunc_end0:
.L_simem_size_0:
called_computation_lowered:
.L_overlay_start_0:
0x88: {  	s2 =	sld [smem:$0x3FD9]  }
0x89: {  	s3 =	sld [smem:$0x3FFE];
	_ =	sdelay $0x1  }
0x8a: {  	s1 =	srdreg.scid  }
0x8b: {  	s0 =	sand.u32 $0x1, s1  }
0x8c: {  	s17 =	sshll.u32 s0, $0xA;
	s2 =	sadd.s32 s3, s2  }
0x8d: {  	s2 =	sadd.s32 s2, s17  }
0x8e: {  	[smem:$0x3FAE] =	sst s2  }
0x8f: {  	_ = 	snop  }
0x90: {  	s2 =	sld [smem:$0x3FC7];
	(tm) =	ssettm $0x1  }
0x91: {  	s18 =	sld [smem:$0x3FFB];
	_ =	sdelay $0x3  }
0x92: {  	_ =	strace s18  }
0x93: {  	s3 =	sld [smem:$0x3FFC];
	_ =	sdelay $0x3  }
0x94: {  	_ =	strace s3  }
0x95: {  	s3 =	sld [smem:$0x3FFD];
	_ =	sdelay $0x3  }
0x96: {  	_ =	strace s3  }
0x97: {  	_ =	strace $0x8FFFFFFF  }
0x98: {  	s19 =	sld [smem:$0x3FDB];
	_ =	sdelay $0x1  }
0x99: {  	s4 =	simm.s32 $_scs_section_size  }
0x9a: {  	s5 =	simm.s32 $_size__tile_overlayer_lowered;
	s6 =	simm.s32 $_tile_overlayer_lowered  }
0x9b: {  	s22 =	simm.s32 $0x1BFF;
	s21 =	sshll.u32 s6, $0x1;
	s3 =	sadd.s32 s4, s19  }
0x9c: {  	s7 =	simm.s32 $0x0;
	s20 =	sshll.u32 s5, $0x1;
	s5 =	sadd.s32 s21, s3  }
0x9d: {  	[timem:s7], [sflag:s22] =	dma.local [hbm:s5], s20  }
0x9e: {  	_ =	swait.ge [sflag:s22], s20  }
0x9f: {  	s4 =	ssub.s32 $0x0, s20;
	[sflag:s22] =	ssyncset.done $0x0  }
0xa0: {  	[sflag:s22] =	ssyncadd.s32 s4;
	_ =	sdelay $0x1  }
0xa1: {  	s23 =	simm.s32 $0x1B8B  }
0xa2: {  	_ =	swait.ge [sflag:s23], $0x1  }
0xa3: {  	[sflag:s23] =	ssyncset.done $0x0  }
0xa4: {  	s25 =	simm.s32 $0x1B8E;
	s24 =	sld [smem:$0x3FFE];
	[sflag:s23] =	ssyncadd.s32 $0xFFFFFFFF  }
0xa5: {  	s26 =	simm.s32 $execute0_lowered;
	[smem:$0x3FD2] =	sst s25  }
0xa6: {  	s5 =	sshll.u32 s26, $0x1;
	_ =	strace $0x80000046;
	[dreg:$0x1] =	wrdreg $0xFFFFFFFF  }
0xa7: {  	s28 =	simm.s32 $_size_execute0_lowered;
	s3 =	sadd.s32 s3, s5;
	[dreg:$0x0] =	wrdreg $0x0  }
0xa8: {  	s5 =	sshll.u32 s28, $0x1;
	[dreg:$0x2] =	wrdreg s3  }
0xa9: {  	[dreg:$0x3] =	wrdreg s5  }
0xaa: {  	[dreg:$0x4] =	wrdreg $0xC0  }
0xab: {  	_ =	task [dreg:s7], $0x5FFFF  }
0xac: {  	[dreg:$0x1] =	wrdreg $0xFFFFFFFF  }
0xad: {  	[dreg:$0x0] =	wrdreg $0x60  }
0xae: {  	[dreg:$0x2] =	wrdreg s24  }
0xaf: {  	[dreg:$0x3] =	wrdreg s2  }
0xb0: {  	[dreg:$0x4] =	wrdreg $0x9  }
0xb1: {  	_ =	task.clear_ibuf [dreg:s7], $0x5FFFF;
	_ =	strace $0x90000046  }
0xb2: {  	s29 =	simm.s32 $0x9;
	_ =	strace $0x80000048  }
0xb3: {  	_ =	swait.ge [sflag:s29], $0x1  }
0xb4: {  	[sflag:s29] =	ssyncadd.s32 $0xFFFFFFFF  }
0xb5: {  	_ =	strace $0x90000048  }
0xb6: {  	_ =	sfence  }
0xb7: {  	s30 =	sld [smem:$0x0];
	_ =	sdelay $0x2  }
0xb8: {  	s31 =	sshll.u32 s1, $0xD;
	s1 =	sshrl.u32 s1, $0x2  }
0xb9: {  	s3 =	sand.u32 $0x4000, s31;
	s1 =	sadd.s32 s1, s30  }
0xba: {  	s0 =	sor.u32 s3, s0;
	s1 =	sshll.u32 s1, $0x11  }
0xbb: {  	s0 =	sor.u32 s1, s0  }
0xbc: {  	s0 =	sadd.s32 $0x8F2B, s0  }
0xbd: {  	[sflag:s0] =	ssyncadd.remote.s32 $0x1  }
0xbe: {  	_ =	sfence.sel $0xFFFF  }
0xbf: {  	[dreg:$0x0] =	wrdreg $0xFFFFFFFF;
	(pc) =	sbr.abs _section_cstart, $3  }
0xc0: {  	[dreg:$0x1] =	wrdreg $0xFFFFFFFF  }
0xc1: {  	_ =	task.clear_ibuf [dreg:s7], $0x2FFFF;
	_ =	strace $0x9FFFFFFF  }
0xc2: {  	(tm) =	ssettm $0x7FFFFFFF  }
0xc3: {  	_ =	shalt  }
tec
execute0_lowered:
.L_overlay_start_1:
0x0: {  	(tag) =	ssettag $0x1  }
0x1: {  	s5 =	rddreg [dreg:$0x0]  }
0x2: {  	s1 =	rddreg [dreg:$0x1]  }
0x3: {  	s2 =	srdreg.scid;
	s0 =	rddreg [dreg:$0x2];
	s3 =	simm.s32 $0x0  }
0x4: {  	s10 =	simm.s32 $0x100;
	s11 =	simm.s32 $0x80;
	s12 =	simm.s32 $0x1  }
0x5: {  	s13 =	simm.s32 $0x2900;
	s6 =	sand.u32 $0x1, s2;
	s2 =	stileid.u32  }
0x6: {  	s14 =	simm.s32 $0x0;
	[smem:$0x7FF] =	sst s3;
	s7 =	smul.u32 $0xA000, s2  }
0x7: {  	s4 =	ssub.s32 $0x2, s6;
	_ =	strace $0x80000047;
	s9 =	smul.u32 $0x5000, s6  }
0x8: {  	s30 =	sshll.u32 s2, $0x9;
	s31 =	sshll.u32 s6, $0x8;
	s8 =	sshrl.u32 s4, $0x1  }
0x9: {  	s8 =	ssub.s32 s4, s8;
	s4 =	sadd.s32 $0x4400, s5;
	s7 =	sadd.s32 s7, s5  }
0xa: {  	s5 =	smax.u32 s8, $0x1;
	s7 =	sadd.s32 s9, s7;
	s8 =	simm.s32 $0x2  }
0xb: {  	s9 =	simm.s32 $0x50;
	s6 =	sadd.s32 $0x6900, s7;
	s7 =	sor.u32 s31, s30  }
.LBB2_1:
0xc: {  	s15 =	sadd.s32 $0x0, s7;
	s16 =	sand.u32 $0x60, s3  }
0xd: {  	s17 =	sand.u32 $0x1F80, s15;
	s16 =	sadd.s32 s4, s16  }
0xe: {  	s16 =	sadd.s32 s17, s16  }
0xf: {  	[tilespmem:s3], [sflag:$0x2] =	stream.linear.gather [hbm4b:s16+s3], $0x80, $0x38;
	[tilespmem:$0x5100] =	vst v63  }
0x10: {  	_ =	swait.ge [sflag:s8], $0x80  }
0x11: {  	s15 =	sadd.s32 $0x10, s15;
	[sflag:s8] =	ssyncset.done $0x0  }
0x12: {  	s15 =	sand.u32 $0x70, s15;
	s29 =	sadd.s32 s4, s17;
	[sflag:s8] =	ssyncadd.s32 $0xFFFFFF80  }
0x13: {  	[tilespmem:s10], [sflag:$0x1] =	stream.indirect.gather [hbm4b:s1+s9], $0x80, s3, s9, $0xb8;
	[tilespmem:$0x5100] =	vst v63  }
0x14: {  	s15 =	sadd.s32 s15, s29  }
0x15: {  	[tilespmem:s11], [sflag:$0x2] =	stream.linear.gather [hbm4b:s15+s3], $0x80, $0x38;
	[tilespmem:$0x5100] =	vst v63  }
0x16: {  	_ =	swait.ge [sflag:s8], $0x80  }
0x17: {  	[sflag:s8] =	ssyncset.done $0x0  }
0x18: {  	[sflag:s8] =	ssyncadd.s32 $0xFFFFFF80  }
0x19: {  	_ =	swait.ge [sflag:s12], $0x2800  }
0x1a: {  	[sflag:s12] =	ssyncset.done $0x0  }
0x1b: {  	[sflag:s12] =	ssyncadd.s32 $0xFFFFD800  }
0x1c: {  	[tilespmem:s13], [sflag:$0x1] =	stream.indirect.gather [hbm4b:s1+s9], $0x80, s11, s9, $0xb8;
	[tilespmem:$0x5100] =	vst v63  }
0x1d: {  	s30 =	sadd.s32 $0xFFFFFB00, s6  }
0x1e: {  	[hbm4b:s30+s3] =	stream.linear.scatter [tilespmem:s10], [sflag:$0x2], $0x2800, $0x38;
	[tilespmem:$0x5100] =	vst v63  }
0x1f: {  	_ =	swait.ge [sflag:s8], $0x2800  }
0x20: {  	[sflag:s8] =	ssyncset.done $0x0  }
0x21: {  	[sflag:s8] =	ssyncadd.s32 $0xFFFFD800  }
0x22: {  	_ =	swait.ge [sflag:s12], $0x2800  }
0x23: {  	s31 =	simm.s32 $0x20;
	[sflag:s12] =	ssyncset.done $0x0  }
0x24: {  	s18 =	sadd.s32 $0x20, s7;
	s19 =	sand.u32 $0x60, s31;
	[sflag:s12] =	ssyncadd.s32 $0xFFFFD800  }
0x25: {  	[hbm4b:s6+s3] =	stream.linear.scatter [tilespmem:s13], [sflag:$0x2], $0x2800, $0x38;
	[tilespmem:$0x5100] =	vst v63  }
0x26: {  	s17 =	simm.s32 $0x40;
	s19 =	sadd.s32 s4, s19;
	_ =	swait.ge [sflag:s8], $0x2800  }
0x27: {  	s16 =	sand.u32 $0x1F80, s18;
	s15 =	sadd.s32 $0xA00, s6;
	[sflag:s8] =	ssyncset.done $0x0  }
.LBB2_2:
0x28: {  	s19 =	sadd.s32 s16, s19;
	s18 =	sadd.s32 $0x10, s18  }
0x29: {  	[sflag:s8] =	ssyncadd.s32 $0xFFFFD800;
	s20 =	smov.u32 s17;
	s21 =	smov.u32 s15  }
0x2a: {  	[tilespmem:s3], [sflag:$0x2] =	stream.linear.gather [hbm4b:s19+s3], $0x80, $0x38;
	[tilespmem:$0x5100] =	vst v63  }
0x2b: {  	s22 =	sadd.s32 $0x20, s17;
	s18 =	sand.u32 $0x70, s18;
	_ =	swait.ge [sflag:s8], $0x80  }
0x2c: {  	p0 =	sne.s32 s17, $0xE0;
	[sflag:s8] =	ssyncset.done $0x0  }
0x2d: {  	s16 =	sadd.s32 s4, s16;
	[sflag:s8] =	ssyncadd.s32 $0xFFFFFF80  }
0x2e: {  	[tilespmem:s10], [sflag:$0x1] =	stream.indirect.gather [hbm4b:s1+s9], $0x80, s3, s9, $0xb8;
	[tilespmem:$0x5100] =	vst v63  }
0x2f: {  	s16 =	sadd.s32 s18, s16  }
0x30: {  	[tilespmem:s11], [sflag:$0x2] =	stream.linear.gather [hbm4b:s16+s3], $0x80, $0x38;
	[tilespmem:$0x5100] =	vst v63  }
0x31: {  	_ =	swait.ge [sflag:s8], $0x80  }
0x32: {  	[sflag:s8] =	ssyncset.done $0x0  }
0x33: {  	[sflag:s8] =	ssyncadd.s32 $0xFFFFFF80  }
0x34: {  	_ =	swait.ge [sflag:s12], $0x2800  }
0x35: {  	[sflag:s12] =	ssyncset.done $0x0  }
0x36: {  	[sflag:s12] =	ssyncadd.s32 $0xFFFFD800  }
0x37: {  	[tilespmem:s13], [sflag:$0x1] =	stream.indirect.gather [hbm4b:s1+s9], $0x80, s11, s9, $0xb8;
	[tilespmem:$0x5100] =	vst v63  }
0x38: {  	s16 =	sadd.s32 $0xFFFFFB00, s15  }
0x39: {  	[hbm4b:s16+s3] =	stream.linear.scatter [tilespmem:s10], [sflag:$0x2], $0x2800, $0x38;
	[tilespmem:$0x5100] =	vst v63  }
0x3a: {  	_ =	swait.ge [sflag:s8], $0x2800  }
0x3b: {  	[sflag:s8] =	ssyncset.done $0x0  }
0x3c: {  	[sflag:s8] =	ssyncadd.s32 $0xFFFFD800  }
0x3d: {  	_ =	swait.ge [sflag:s12], $0x2800  }
.Ltmp0:
0x3e: {  	[sflag:s12] =	ssyncset.done $0x0;
	(pc) =	sbr.rel @p0 .LBB2_2-.Ltmp0, $4  }
0x3f: {  	s17 =	sand.u32 $0x60, s20;
	s15 =	sadd.s32 $0xA00, s15;
	[sflag:s12] =	ssyncadd.s32 $0xFFFFD800  }
0x40: {  	[hbm4b:s21+s3] =	stream.linear.scatter [tilespmem:s13], [sflag:$0x2], $0x2800, $0x38;
	[tilespmem:$0x5100] =	vst v63  }
0x41: {  	s18 =	sadd.s32 s20, s7;
	s19 =	sadd.s32 s4, s17;
	_ =	swait.ge [sflag:s8], $0x2800  }
0x42: {  	s17 =	smov.u32 s22;
	s16 =	sand.u32 $0x1F80, s18;
	[sflag:s8] =	ssyncset.done $0x0  }
0x43: {  	s17 =	sadd.s32 s16, s19;
	[sflag:s8] =	ssyncadd.s32 $0xFFFFD800  }
0x44: {  	[tilespmem:s3], [sflag:$0x2] =	stream.linear.gather [hbm4b:s17+s3], $0x80, $0x38;
	[tilespmem:$0x5100] =	vst v63  }
0x45: {  	_ =	swait.ge [sflag:s8], $0x80  }
0x46: {  	s29 =	sadd.s32 $0x10, s18;
	[sflag:s8] =	ssyncset.done $0x0  }
0x47: {  	s30 =	sadd.s32 s4, s16;
	s17 =	sand.u32 $0x70, s29;
	[sflag:s8] =	ssyncadd.s32 $0xFFFFFF80  }
0x48: {  	[tilespmem:s10], [sflag:$0x1] =	stream.indirect.gather [hbm4b:s1+s9], $0x80, s3, s9, $0xb8;
	[tilespmem:$0x5100] =	vst v63  }
0x49: {  	s16 =	sadd.s32 s17, s30  }
0x4a: {  	[tilespmem:s11], [sflag:$0x2] =	stream.linear.gather [hbm4b:s16+s3], $0x80, $0x38;
	[tilespmem:$0x5100] =	vst v63  }
0x4b: {  	_ =	swait.ge [sflag:s8], $0x80  }
0x4c: {  	[sflag:s8] =	ssyncset.done $0x0  }
0x4d: {  	[sflag:s8] =	ssyncadd.s32 $0xFFFFFF80  }
0x4e: {  	_ =	swait.ge [sflag:s12], $0x2800  }
0x4f: {  	[sflag:s12] =	ssyncset.done $0x0  }
0x50: {  	[sflag:s12] =	ssyncadd.s32 $0xFFFFD800  }
0x51: {  	[tilespmem:s13], [sflag:$0x1] =	stream.indirect.gather [hbm4b:s1+s9], $0x80, s11, s9, $0xb8;
	[tilespmem:$0x5100] =	vst v63  }
0x52: {  	s31 =	sadd.s32 $0xFFFFFB00, s15  }
0x53: {  	[hbm4b:s31+s3] =	stream.linear.scatter [tilespmem:s10], [sflag:$0x2], $0x2800, $0x38;
	[tilespmem:$0x5100] =	vst v63  }
0x54: {  	_ =	swait.ge [sflag:s8], $0x2800  }
0x55: {  	[sflag:s8] =	ssyncset.done $0x0  }
0x56: {  	[sflag:s8] =	ssyncadd.s32 $0xFFFFD800  }
0x57: {  	s14 =	sadd.s32 $0x1, s14;
	_ =	swait.ge [sflag:s12], $0x2800  }
0x58: {  	p0 =	sne.s32 s14, s5;
	[sflag:s12] =	ssyncset.done $0x0  }
.Ltmp1:
0x59: {  	[sflag:s12] =	ssyncadd.s32 $0xFFFFD800;
	(pc) =	sbr.rel @p0 .LBB2_1-.Ltmp1, $4  }
0x5a: {  	[hbm4b:s15+s3] =	stream.linear.scatter [tilespmem:s13], [sflag:$0x2], $0x2800, $0x38;
	[tilespmem:$0x5100] =	vst v63  }
0x5b: {  	_ =	swait.ge [sflag:s8], $0x2800  }
0x5c: {  	[sflag:s8] =	ssyncset.done $0x0  }
0x5d: {  	[sflag:s8] =	ssyncadd.s32 $0xFFFFD800  }
0x5e: {  	_ =	sfence.sel $0x180000  }
0x5f: {  	[bflag:$0x0] =	sbarrier.arrive $0xFFFF  }
0x60: {  	p0 =	sne.s32 s2, $0x0;
	_ =	strace $0x90000047  }
0x61: {  	s0 =	sadd.s32 @!p0 $0x100000, s0;
	[bflag:$0x2] =	sbarrier.arrive $0xFFFF  }
0x62: {  	[sflag:s0] =	ssyncadd.tile.s32 @!p0 $0x1;
	_ =	shalt  }
.Lfunc_end2:
_tile_overlayer_lowered:
.L_overlay_start_2:
0x63: {  	(tag) =	ssettag $0x2  }
0x64: {  	s0 =	rddreg [dreg:$0x0];
	s2 =	stileid.u32  }
0x65: {  	s1 =	rddreg [dreg:$0x1];
	p0 =	sne.s32 s2, $0x0  }
0x66: {  	s3 =	rddreg [dreg:$0x2];
	[bflag:$0x3] =	sbarrier.arrive $0xFFFF;
	s2 =	simm.s32 @!p0 $0x1C02  }
0x67: {  	[timem:s3], [sflag:s2] =	dma.local @!p0 [hbm:s0], s1  }
0x68: {  	s0 =	simm.s32 @!p0 $0x2  }
0x69: {  	_ =	swait.ge @!p0 [sflag:s0], s1  }
0x6a: {  	s1 =	ssub.s32 @!p0 $0x0, s1;
	[sflag:s0] =	ssyncset.done @!p0 $0x0  }
0x6b: {  	[sflag:s0] =	ssyncadd.s32 @!p0 s1  }
0x6c: {  	[bflag:$0x3] =	sbarrier.arrive $0xFFFF  }
0x6d: {  	_ =	shalt  }

</sc_bundles>
